<compile_context>
chip_gen: v7x
topology: tpu7x:2x2x1
jax: 0.10.2.dev20260603
libtpu: 0.0.44.dev20260713+nightly
codegen_flags: <defaults>
</compile_context>

<pallas_src>
import functools

import jax
import jax.numpy as jnp
from jax import lax
from jax.experimental import pallas as pl
from jax.experimental.pallas import tpu as pltpu
from jax.experimental.pallas import tpu_sc as plsc

R = 128
C = 32768
L = 16
NC = 2
NS = 16
NW = NC * NS
ROWS_PER_W = R // NW
U = 8
STEPS = C // L

_mesh = plsc.VectorSubcoreMesh(core_axis_name="c", subcore_axis_name="s")


def _shuffle(x, idx):
    return lax.gather(
        x, idx[:, None],
        lax.GatherDimensionNumbers(
            offset_dims=(), collapsed_slice_dims=(0,), start_index_map=(0,)),
        slice_sizes=(1,),
        mode=lax.GatherScatterMode.PROMISE_IN_BOUNDS)


@functools.partial(
    pl.kernel,
    out_type=jax.ShapeDtypeStruct((R, C), jnp.float32),
    mesh=_mesh,
    scratch_types=[
        pltpu.VMEM((C,), jnp.float32),
        pltpu.VMEM((C,), jnp.float32),
        pltpu.VMEM((C,), jnp.float32),
        pltpu.VMEM((ROWS_PER_W * L,), jnp.float32),
        pltpu.VMEM((L,), jnp.int32),
        pltpu.SemaphoreType.DMA,
        pltpu.SemaphoreType.DMA,
        pltpu.SemaphoreType.DMA,
        pltpu.SemaphoreType.DMA,
    ],
    compiler_params=pltpu.CompilerParams(needs_layout_passes=False),
)
def _argmax_onehot(data_hbm, out_hbm, in0, in1, zero_v, patch_v, idx_v,
                   sem0, sem1, sem_out, sem_patch):
    wid = lax.axis_index("s") * NC + lax.axis_index("c")
    lanes = lax.iota(jnp.int32, L)
    zeros = jnp.zeros((L,), jnp.float32)
    bufs = (in0, in1)
    sems = (sem0, sem1)
    base_row = wid * ROWS_PER_W

    cps = [pltpu.async_copy(data_hbm.at[base_row], in0, sem0),
           pltpu.async_copy(data_hbm.at[base_row + 1], in1, sem1)]

    def zfill(t, _):
        base = t * (U * L)
        for k in range(U):
            zero_v[pl.ds(base + k * L, L)] = zeros
        return 0

    lax.fori_loop(0, STEPS // U, zfill, 0)

    out_cps = [
        pltpu.async_copy(zero_v, out_hbm.at[base_row + r], sem_out)
        for r in range(ROWS_PER_W)
    ]

    row_idx = []
    for r in range(ROWS_PER_W):
        cps[r % 2].wait()
        buf = bufs[r % 2]

        def step(t, carry, buf=buf):
            bv, bi = carry
            base = t * (U * L)
            for k in range(U):
                v = buf[pl.ds(base + k * L, L)]
                idx = (base + k * L) + lanes
                upd = v > bv
                bv = jnp.where(upd, v, bv)
                bi = jnp.where(upd, idx, bi)
            return bv, bi

        init = (jnp.full((L,), -jnp.inf, jnp.float32),
                jnp.zeros((L,), jnp.int32))
        bv, bi = lax.fori_loop(0, STEPS // U, step, init)

        for k in (8, 4, 2, 1):
            pv = _shuffle(bv, lanes ^ k)
            pi = _shuffle(bi, lanes ^ k)
            take = (pv > bv) | ((pv == bv) & (pi < bi))
            bv = jnp.where(take, pv, bv)
            bi = jnp.where(take, pi, bi)

        row_idx.append(bi[0])
        if r + 2 < ROWS_PER_W:
            cps[r % 2] = pltpu.async_copy(
                data_hbm.at[base_row + r + 2], bufs[r % 2], sems[r % 2])

    for cp in out_cps:
        cp.wait()
    pcps = []
    for r in range(ROWS_PER_W):
        s = row_idx[r]
        patch_v[pl.ds(r * L, L)] = (
            jnp.where(lanes == s % L, 1.0, 0.0).astype(jnp.float32))
        col0 = (s // L) * L
        pcps.append(pltpu.async_copy(
            patch_v.at[pl.ds(r * L, L)],
            out_hbm.at[base_row + r, pl.ds(col0, L)], sem_patch))
    for cp in pcps:
        cp.wait()


def kernel(data):
    return _argmax_onehot(data)

# --- scband reference (transcript-rebuilt; emitter-appended) ---
"""Pipeline reference for scband-arg-max-43447889166597 (READ-ONLY COPY).

The authoritative reference and input builder live on the scoring server;
editing this copy changes nothing except your own understanding.
"""

import jax, jax.numpy as jnp
import numpy as np


def setup_inputs(seed: int = 0) -> dict:
    key = jax.random.key(seed)
    data = jax.random.normal(key, (128, 32768), dtype=jnp.float32)
    return {"data": data}


def reference(data):
    # torch: out = zeros(data.shape); out.scatter(dim=1, data.max(1).indices.unsqueeze(1), ones(data.shape))
    # -> one-hot along dim=1 at the argmax position, value 1.0 (src ones), zeros elsewhere.
    idx = jnp.argmax(data, axis=1)
    out = jnp.zeros(data.shape, dtype=data.dtype)
    out = out.at[jnp.arange(data.shape[0]), idx].set(1.0)
    return out

if __name__ == "__main__":
    import jax
    _d = setup_inputs()
    print(jax.jit(kernel)(*tuple(_d.values())))

</pallas_src>

<mosaic_0001>
#map = affine_map<(d0, d1) -> (0, 0)>
module attributes {stable_mosaic.version = 14 : i64} {
  func.func @_argmax_onehot(%arg0: i32, %arg1: i32, %arg2: memref<128x32768xf32, #tpu.memory_space<hbm>>, %arg3: memref<128x32768xf32, #tpu.memory_space<hbm>>, %arg4: memref<32768xf32, #tpu.memory_space<vmem>>, %arg5: memref<32768xf32, #tpu.memory_space<vmem>>, %arg6: memref<32768xf32, #tpu.memory_space<vmem>>, %arg7: memref<64xf32, #tpu.memory_space<vmem>>, %arg8: memref<16xi32, #tpu.memory_space<vmem>>, %arg9: memref<!tpu.dma_semaphore, #tpu.memory_space<semaphore_mem>>, %arg10: memref<!tpu.dma_semaphore, #tpu.memory_space<semaphore_mem>>, %arg11: memref<!tpu.dma_semaphore, #tpu.memory_space<semaphore_mem>>, %arg12: memref<!tpu.dma_semaphore, #tpu.memory_space<semaphore_mem>>) attributes {dimension_semantics = [#tpu.dimension_semantics<core_parallel>, #tpu.dimension_semantics<subcore_parallel>], iteration_bounds = array<i64: 2, 16>, scalar_prefetch = 0 : i64, scratch_operands = 9 : i64, tpu.core_type = #tpu.core_type<sc_vector_subcore>, window_params = [{transform_indices = #map}, {transform_indices = #map}]} {
    %mul3A = arith.constant 2 : i32
    %mul3A_0 = arith.muli %arg1, %mul3A : i32
    %add3A = arith.addi %mul3A_0, %arg0 : i32
    %iota3A = tpu.iota {dimensions = array<i32: 0>} : vector<16xi32>
    %broadcast_in_dim3A = arith.constant 0.000000e+00 : f32
    %broadcast_in_dim3A_1 = vector.broadcast %broadcast_in_dim3A : f32 to vector<16xf32>
    %mul3A_2 = arith.constant 4 : i32
    %mul3A_3 = arith.muli %add3A, %mul3A_2 : i32
    %dma_start3A = arith.constant 0 : i32
    %dma_start3A_4 = tpu.memref_slice %arg2[%mul3A_3, %dma_start3A] : memref<128x32768xf32, #tpu.memory_space<hbm>> -> memref<1x32768xf32, #tpu.memory_space<hbm>>
    %dma_start3A_5 = tpu.memref_squeeze %dma_start3A_4 : memref<1x32768xf32, #tpu.memory_space<hbm>> -> memref<32768xf32, #tpu.memory_space<hbm>>
    %dma_start3A_6 = arith.constant 0 : i32
    %dma_start3A_7 = tpu.memref_slice %arg2[%mul3A_3, %dma_start3A_6] : memref<128x32768xf32, #tpu.memory_space<hbm>> -> memref<1x32768xf32, #tpu.memory_space<hbm>>
    %dma_start3A_8 = tpu.memref_squeeze %dma_start3A_7 : memref<1x32768xf32, #tpu.memory_space<hbm>> -> memref<32768xf32, #tpu.memory_space<hbm>>
    tpu.enqueue_dma source(%dma_start3A_8 : memref<32768xf32, #tpu.memory_space<hbm>>) target(%arg4 : memref<32768xf32, #tpu.memory_space<vmem>>) target_semaphore(%arg9 : memref<!tpu.dma_semaphore, #tpu.memory_space<semaphore_mem>>)
    %add3A_9 = arith.constant 1 : i32
    %add3A_10 = arith.addi %mul3A_3, %add3A_9 : i32
    %dma_start3A_11 = arith.constant 0 : i32
    %dma_start3A_12 = tpu.memref_slice %arg2[%add3A_10, %dma_start3A_11] : memref<128x32768xf32, #tpu.memory_space<hbm>> -> memref<1x32768xf32, #tpu.memory_space<hbm>>
    %dma_start3A_13 = tpu.memref_squeeze %dma_start3A_12 : memref<1x32768xf32, #tpu.memory_space<hbm>> -> memref<32768xf32, #tpu.memory_space<hbm>>
    %dma_start3A_14 = arith.constant 0 : i32
    %dma_start3A_15 = tpu.memref_slice %arg2[%add3A_10, %dma_start3A_14] : memref<128x32768xf32, #tpu.memory_space<hbm>> -> memref<1x32768xf32, #tpu.memory_space<hbm>>
    %dma_start3A_16 = tpu.memref_squeeze %dma_start3A_15 : memref<1x32768xf32, #tpu.memory_space<hbm>> -> memref<32768xf32, #tpu.memory_space<hbm>>
    tpu.enqueue_dma source(%dma_start3A_16 : memref<32768xf32, #tpu.memory_space<hbm>>) target(%arg5 : memref<32768xf32, #tpu.memory_space<vmem>>) target_semaphore(%arg10 : memref<!tpu.dma_semaphore, #tpu.memory_space<semaphore_mem>>)
    %scan3A = arith.constant 0 : i32
    %scan3A_17 = arith.constant 0 : i32
    %scan3A_18 = arith.constant 256 : i32
    %scan3A_19 = arith.addi %scan3A_17, %scan3A_18 : i32
    %scan3A_20 = arith.constant 1 : i32
    %scan3A_21 = scf.for %scan3A_733 = %scan3A_17 to %scan3A_19 step %scan3A_20 iter_args(%scan3A_734 = %scan3A) -> (i32)  : i32 {
      %mul3A_735 = arith.constant 128 : i32
      %mul3A_736 = arith.muli %scan3A_733, %mul3A_735 : i32
      %add3A_737 = arith.constant 0 : i32
      %add3A_738 = arith.addi %mul3A_736, %add3A_737 : i32
      %swap3A_739 = arith.index_cast %add3A_738 : i32 to index
      %swap3A_740 = tpu.vector_load %arg6[%swap3A_739] {strides = array<i32>} : memref<32768xf32, #tpu.memory_space<vmem>>, vector<16xf32>,
      tpu.vector_store %arg6[%swap3A_739], %broadcast_in_dim3A_1 {strides = array<i32>} : memref<32768xf32, #tpu.memory_space<vmem>>, vector<16xf32>,
      %add3A_741 = arith.constant 16 : i32
      %add3A_742 = arith.addi %mul3A_736, %add3A_741 : i32
      %swap3A_743 = arith.index_cast %add3A_742 : i32 to index
      %swap3A_744 = tpu.vector_load %arg6[%swap3A_743] {strides = array<i32>} : memref<32768xf32, #tpu.memory_space<vmem>>, vector<16xf32>,
      tpu.vector_store %arg6[%swap3A_743], %broadcast_in_dim3A_1 {strides = array<i32>} : memref<32768xf32, #tpu.memory_space<vmem>>, vector<16xf32>,
      %add3A_745 = arith.constant 32 : i32
      %add3A_746 = arith.addi %mul3A_736, %add3A_745 : i32
      %swap3A_747 = arith.index_cast %add3A_746 : i32 to index
      %swap3A_748 = tpu.vector_load %arg6[%swap3A_747] {strides = array<i32>} : memref<32768xf32, #tpu.memory_space<vmem>>, vector<16xf32>,
      tpu.vector_store %arg6[%swap3A_747], %broadcast_in_dim3A_1 {strides = array<i32>} : memref<32768xf32, #tpu.memory_space<vmem>>, vector<16xf32>,
      %add3A_749 = arith.constant 48 : i32
      %add3A_750 = arith.addi %mul3A_736, %add3A_749 : i32
      %swap3A_751 = arith.index_cast %add3A_750 : i32 to index
      %swap3A_752 = tpu.vector_load %arg6[%swap3A_751] {strides = array<i32>} : memref<32768xf32, #tpu.memory_space<vmem>>, vector<16xf32>,
      tpu.vector_store %arg6[%swap3A_751], %broadcast_in_dim3A_1 {strides = array<i32>} : memref<32768xf32, #tpu.memory_space<vmem>>, vector<16xf32>,
      %add3A_753 = arith.constant 64 : i32
      %add3A_754 = arith.addi %mul3A_736, %add3A_753 : i32
      %swap3A_755 = arith.index_cast %add3A_754 : i32 to index
      %swap3A_756 = tpu.vector_load %arg6[%swap3A_755] {strides = array<i32>} : memref<32768xf32, #tpu.memory_space<vmem>>, vector<16xf32>,
      tpu.vector_store %arg6[%swap3A_755], %broadcast_in_dim3A_1 {strides = array<i32>} : memref<32768xf32, #tpu.memory_space<vmem>>, vector<16xf32>,
      %add3A_757 = arith.constant 80 : i32
      %add3A_758 = arith.addi %mul3A_736, %add3A_757 : i32
      %swap3A_759 = arith.index_cast %add3A_758 : i32 to index
      %swap3A_760 = tpu.vector_load %arg6[%swap3A_759] {strides = array<i32>} : memref<32768xf32, #tpu.memory_space<vmem>>, vector<16xf32>,
      tpu.vector_store %arg6[%swap3A_759], %broadcast_in_dim3A_1 {strides = array<i32>} : memref<32768xf32, #tpu.memory_space<vmem>>, vector<16xf32>,
      %add3A_761 = arith.constant 96 : i32
      %add3A_762 = arith.addi %mul3A_736, %add3A_761 : i32
      %swap3A_763 = arith.index_cast %add3A_762 : i32 to index
      %swap3A_764 = tpu.vector_load %arg6[%swap3A_763] {strides = array<i32>} : memref<32768xf32, #tpu.memory_space<vmem>>, vector<16xf32>,
      tpu.vector_store %arg6[%swap3A_763], %broadcast_in_dim3A_1 {strides = array<i32>} : memref<32768xf32, #tpu.memory_space<vmem>>, vector<16xf32>,
      %add3A_765 = arith.constant 112 : i32
      %add3A_766 = arith.addi %mul3A_736, %add3A_765 : i32
      %swap3A_767 = arith.index_cast %add3A_766 : i32 to index
      %swap3A_768 = tpu.vector_load %arg6[%swap3A_767] {strides = array<i32>} : memref<32768xf32, #tpu.memory_space<vmem>>, vector<16xf32>,
      tpu.vector_store %arg6[%swap3A_767], %broadcast_in_dim3A_1 {strides = array<i32>} : memref<32768xf32, #tpu.memory_space<vmem>>, vector<16xf32>,
      %scan3A_769 = arith.constant 0 : i32
      scf.yield %scan3A_769 : i32
    }
    %scan3A_22 = arith.constant 256 : i32
    %add3A_23 = arith.constant 0 : i32
    %add3A_24 = arith.addi %mul3A_3, %add3A_23 : i32
    %dma_start3A_25 = arith.constant 0 : i32
    %dma_start3A_26 = tpu.memref_slice %arg3[%add3A_24, %dma_start3A_25] : memref<128x32768xf32, #tpu.memory_space<hbm>> -> memref<1x32768xf32, #tpu.memory_space<hbm>>
    %dma_start3A_27 = tpu.memref_squeeze %dma_start3A_26 : memref<1x32768xf32, #tpu.memory_space<hbm>> -> memref<32768xf32, #tpu.memory_space<hbm>>
    %dma_start3A_28 = arith.constant 0 : i32
    %dma_start3A_29 = tpu.memref_slice %arg3[%add3A_24, %dma_start3A_28] : memref<128x32768xf32, #tpu.memory_space<hbm>> -> memref<1x32768xf32, #tpu.memory_space<hbm>>
    %dma_start3A_30 = tpu.memref_squeeze %dma_start3A_29 : memref<1x32768xf32, #tpu.memory_space<hbm>> -> memref<32768xf32, #tpu.memory_space<hbm>>
    tpu.enqueue_dma source(%arg6 : memref<32768xf32, #tpu.memory_space<vmem>>) target(%dma_start3A_30 : memref<32768xf32, #tpu.memory_space<hbm>>) target_semaphore(%arg11 : memref<!tpu.dma_semaphore, #tpu.memory_space<semaphore_mem>>)
    %add3A_31 = arith.constant 1 : i32
    %add3A_32 = arith.addi %mul3A_3, %add3A_31 : i32
    %dma_start3A_33 = arith.constant 0 : i32
    %dma_start3A_34 = tpu.memref_slice %arg3[%add3A_32, %dma_start3A_33] : memref<128x32768xf32, #tpu.memory_space<hbm>> -> memref<1x32768xf32, #tpu.memory_space<hbm>>
    %dma_start3A_35 = tpu.memref_squeeze %dma_start3A_34 : memref<1x32768xf32, #tpu.memory_space<hbm>> -> memref<32768xf32, #tpu.memory_space<hbm>>
    %dma_start3A_36 = arith.constant 0 : i32
    %dma_start3A_37 = tpu.memref_slice %arg3[%add3A_32, %dma_start3A_36] : memref<128x32768xf32, #tpu.memory_space<hbm>> -> memref<1x32768xf32, #tpu.memory_space<hbm>>
    %dma_start3A_38 = tpu.memref_squeeze %dma_start3A_37 : memref<1x32768xf32, #tpu.memory_space<hbm>> -> memref<32768xf32, #tpu.memory_space<hbm>>
    tpu.enqueue_dma source(%arg6 : memref<32768xf32, #tpu.memory_space<vmem>>) target(%dma_start3A_38 : memref<32768xf32, #tpu.memory_space<hbm>>) target_semaphore(%arg11 : memref<!tpu.dma_semaphore, #tpu.memory_space<semaphore_mem>>)
    %add3A_39 = arith.constant 2 : i32
    %add3A_40 = arith.addi %mul3A_3, %add3A_39 : i32
    %dma_start3A_41 = arith.constant 0 : i32
    %dma_start3A_42 = tpu.memref_slice %arg3[%add3A_40, %dma_start3A_41] : memref<128x32768xf32, #tpu.memory_space<hbm>> -> memref<1x32768xf32, #tpu.memory_space<hbm>>
    %dma_start3A_43 = tpu.memref_squeeze %dma_start3A_42 : memref<1x32768xf32, #tpu.memory_space<hbm>> -> memref<32768xf32, #tpu.memory_space<hbm>>
    %dma_start3A_44 = arith.constant 0 : i32
    %dma_start3A_45 = tpu.memref_slice %arg3[%add3A_40, %dma_start3A_44] : memref<128x32768xf32, #tpu.memory_space<hbm>> -> memref<1x32768xf32, #tpu.memory_space<hbm>>
    %dma_start3A_46 = tpu.memref_squeeze %dma_start3A_45 : memref<1x32768xf32, #tpu.memory_space<hbm>> -> memref<32768xf32, #tpu.memory_space<hbm>>
    tpu.enqueue_dma source(%arg6 : memref<32768xf32, #tpu.memory_space<vmem>>) target(%dma_start3A_46 : memref<32768xf32, #tpu.memory_space<hbm>>) target_semaphore(%arg11 : memref<!tpu.dma_semaphore, #tpu.memory_space<semaphore_mem>>)
    %add3A_47 = arith.constant 3 : i32
    %add3A_48 = arith.addi %mul3A_3, %add3A_47 : i32
    %dma_start3A_49 = arith.constant 0 : i32
    %dma_start3A_50 = tpu.memref_slice %arg3[%add3A_48, %dma_start3A_49] : memref<128x32768xf32, #tpu.memory_space<hbm>> -> memref<1x32768xf32, #tpu.memory_space<hbm>>
    %dma_start3A_51 = tpu.memref_squeeze %dma_start3A_50 : memref<1x32768xf32, #tpu.memory_space<hbm>> -> memref<32768xf32, #tpu.memory_space<hbm>>
    %dma_start3A_52 = arith.constant 0 : i32
    %dma_start3A_53 = tpu.memref_slice %arg3[%add3A_48, %dma_start3A_52] : memref<128x32768xf32, #tpu.memory_space<hbm>> -> memref<1x32768xf32, #tpu.memory_space<hbm>>
    %dma_start3A_54 = tpu.memref_squeeze %dma_start3A_53 : memref<1x32768xf32, #tpu.memory_space<hbm>> -> memref<32768xf32, #tpu.memory_space<hbm>>
    tpu.enqueue_dma source(%arg6 : memref<32768xf32, #tpu.memory_space<vmem>>) target(%dma_start3A_54 : memref<32768xf32, #tpu.memory_space<hbm>>) target_semaphore(%arg11 : memref<!tpu.dma_semaphore, #tpu.memory_space<semaphore_mem>>)
    %dma_wait3A = arith.constant 0 : i32
    %dma_wait3A_55 = tpu.memref_slice %arg2[%mul3A_3, %dma_wait3A] : memref<128x32768xf32, #tpu.memory_space<hbm>> -> memref<1x32768xf32, #tpu.memory_space<hbm>>
    %dma_wait3A_56 = tpu.memref_squeeze %dma_wait3A_55 : memref<1x32768xf32, #tpu.memory_space<hbm>> -> memref<32768xf32, #tpu.memory_space<hbm>>
    %dma_wait3A_57 = arith.constant 0 : i32
    %dma_wait3A_58 = tpu.memref_slice %arg2[%mul3A_3, %dma_wait3A_57] : memref<128x32768xf32, #tpu.memory_space<hbm>> -> memref<1x32768xf32, #tpu.memory_space<hbm>>
    %dma_wait3A_59 = tpu.memref_squeeze %dma_wait3A_58 : memref<1x32768xf32, #tpu.memory_space<hbm>> -> memref<32768xf32, #tpu.memory_space<hbm>>
    tpu.wait_dma2 semaphore(%arg9 : memref<!tpu.dma_semaphore, #tpu.memory_space<semaphore_mem>>) src(%dma_wait3A_59 : memref<32768xf32, #tpu.memory_space<hbm>>) dst(%arg4 : memref<32768xf32, #tpu.memory_space<vmem>>)
    %broadcast_in_dim3A_60 = arith.constant 0xFF800000 : f32
    %broadcast_in_dim3A_61 = vector.broadcast %broadcast_in_dim3A_60 : f32 to vector<16xf32>
    %broadcast_in_dim3A_62 = arith.constant 0 : i32
    %broadcast_in_dim3A_63 = vector.broadcast %broadcast_in_dim3A_62 : i32 to vector<16xi32>
    %scan3A_64 = arith.constant 0 : i32
    %scan3A_65 = arith.constant 256 : i32
    %scan3A_66 = arith.addi %scan3A_64, %scan3A_65 : i32
    %scan3A_67 = arith.constant 1 : i32
    %scan3A_68:2 = scf.for %scan3A_733 = %scan3A_64 to %scan3A_66 step %scan3A_67 iter_args(%scan3A_734 = %broadcast_in_dim3A_61, %scan3A_735 = %broadcast_in_dim3A_63) -> (vector<16xf32>, vector<16xi32>)  : i32 {
      %mul3A_736 = arith.constant 128 : i32
      %mul3A_737 = arith.muli %scan3A_733, %mul3A_736 : i32
      %add3A_738 = arith.constant 0 : i32
      %add3A_739 = arith.addi %mul3A_737, %add3A_738 : i32
      %get3A = arith.index_cast %add3A_739 : i32 to index
      %get3A_740 = tpu.vector_load %arg4[%get3A] {strides = array<i32>} : memref<32768xf32, #tpu.memory_space<vmem>>, vector<16xf32>,
      %add3A_741 = arith.constant 0 : i32
      %add3A_742 = arith.addi %mul3A_737, %add3A_741 : i32
      %add3A_743 = vector.broadcast %add3A_742 : i32 to vector<16xi32>
      %add3A_744 = arith.addi %add3A_743, %iota3A : vector<16xi32>
      %gt3A_745 = arith.cmpf ogt, %get3A_740, %scan3A_734 : vector<16xf32>
      %select_n3A_746 = arith.select %gt3A_745, %get3A_740, %scan3A_734 : vector<16xi1>, vector<16xf32>
      %select_n3A_747 = arith.select %gt3A_745, %add3A_744, %scan3A_735 : vector<16xi1>, vector<16xi32>
      %add3A_748 = arith.constant 16 : i32
      %add3A_749 = arith.addi %mul3A_737, %add3A_748 : i32
      %get3A_750 = arith.index_cast %add3A_749 : i32 to index
      %get3A_751 = tpu.vector_load %arg4[%get3A_750] {strides = array<i32>} : memref<32768xf32, #tpu.memory_space<vmem>>, vector<16xf32>,
      %add3A_752 = arith.constant 16 : i32
      %add3A_753 = arith.addi %mul3A_737, %add3A_752 : i32
      %add3A_754 = vector.broadcast %add3A_753 : i32 to vector<16xi32>
      %add3A_755 = arith.addi %add3A_754, %iota3A : vector<16xi32>
      %gt3A_756 = arith.cmpf ogt, %get3A_751, %select_n3A_746 : vector<16xf32>
      %select_n3A_757 = arith.select %gt3A_756, %get3A_751, %select_n3A_746 : vector<16xi1>, vector<16xf32>
      %select_n3A_758 = arith.select %gt3A_756, %add3A_755, %select_n3A_747 : vector<16xi1>, vector<16xi32>
      %add3A_759 = arith.constant 32 : i32
      %add3A_760 = arith.addi %mul3A_737, %add3A_759 : i32
      %get3A_761 = arith.index_cast %add3A_760 : i32 to index
      %get3A_762 = tpu.vector_load %arg4[%get3A_761] {strides = array<i32>} : memref<32768xf32, #tpu.memory_space<vmem>>, vector<16xf32>,
      %add3A_763 = arith.constant 32 : i32
      %add3A_764 = arith.addi %mul3A_737, %add3A_763 : i32
      %add3A_765 = vector.broadcast %add3A_764 : i32 to vector<16xi32>
      %add3A_766 = arith.addi %add3A_765, %iota3A : vector<16xi32>
      %gt3A_767 = arith.cmpf ogt, %get3A_762, %select_n3A_757 : vector<16xf32>
      %select_n3A_768 = arith.select %gt3A_767, %get3A_762, %select_n3A_757 : vector<16xi1>, vector<16xf32>
      %select_n3A_769 = arith.select %gt3A_767, %add3A_766, %select_n3A_758 : vector<16xi1>, vector<16xi32>
      %add3A_770 = arith.constant 48 : i32
      %add3A_771 = arith.addi %mul3A_737, %add3A_770 : i32
      %get3A_772 = arith.index_cast %add3A_771 : i32 to index
      %get3A_773 = tpu.vector_load %arg4[%get3A_772] {strides = array<i32>} : memref<32768xf32, #tpu.memory_space<vmem>>, vector<16xf32>,
      %add3A_774 = arith.constant 48 : i32
      %add3A_775 = arith.addi %mul3A_737, %add3A_774 : i32
      %add3A_776 = vector.broadcast %add3A_775 : i32 to vector<16xi32>
      %add3A_777 = arith.addi %add3A_776, %iota3A : vector<16xi32>
      %gt3A_778 = arith.cmpf ogt, %get3A_773, %select_n3A_768 : vector<16xf32>
      %select_n3A_779 = arith.select %gt3A_778, %get3A_773, %select_n3A_768 : vector<16xi1>, vector<16xf32>
      %select_n3A_780 = arith.select %gt3A_778, %add3A_777, %select_n3A_769 : vector<16xi1>, vector<16xi32>
      %add3A_781 = arith.constant 64 : i32
      %add3A_782 = arith.addi %mul3A_737, %add3A_781 : i32
      %get3A_783 = arith.index_cast %add3A_782 : i32 to index
      %get3A_784 = tpu.vector_load %arg4[%get3A_783] {strides = array<i32>} : memref<32768xf32, #tpu.memory_space<vmem>>, vector<16xf32>,
      %add3A_785 = arith.constant 64 : i32
      %add3A_786 = arith.addi %mul3A_737, %add3A_785 : i32
      %add3A_787 = vector.broadcast %add3A_786 : i32 to vector<16xi32>
      %add3A_788 = arith.addi %add3A_787, %iota3A : vector<16xi32>
      %gt3A_789 = arith.cmpf ogt, %get3A_784, %select_n3A_779 : vector<16xf32>
      %select_n3A_790 = arith.select %gt3A_789, %get3A_784, %select_n3A_779 : vector<16xi1>, vector<16xf32>
      %select_n3A_791 = arith.select %gt3A_789, %add3A_788, %select_n3A_780 : vector<16xi1>, vector<16xi32>
      %add3A_792 = arith.constant 80 : i32
      %add3A_793 = arith.addi %mul3A_737, %add3A_792 : i32
      %get3A_794 = arith.index_cast %add3A_793 : i32 to index
      %get3A_795 = tpu.vector_load %arg4[%get3A_794] {strides = array<i32>} : memref<32768xf32, #tpu.memory_space<vmem>>, vector<16xf32>,
      %add3A_796 = arith.constant 80 : i32
      %add3A_797 = arith.addi %mul3A_737, %add3A_796 : i32
      %add3A_798 = vector.broadcast %add3A_797 : i32 to vector<16xi32>
      %add3A_799 = arith.addi %add3A_798, %iota3A : vector<16xi32>
      %gt3A_800 = arith.cmpf ogt, %get3A_795, %select_n3A_790 : vector<16xf32>
      %select_n3A_801 = arith.select %gt3A_800, %get3A_795, %select_n3A_790 : vector<16xi1>, vector<16xf32>
      %select_n3A_802 = arith.select %gt3A_800, %add3A_799, %select_n3A_791 : vector<16xi1>, vector<16xi32>
      %add3A_803 = arith.constant 96 : i32
      %add3A_804 = arith.addi %mul3A_737, %add3A_803 : i32
      %get3A_805 = arith.index_cast %add3A_804 : i32 to index
      %get3A_806 = tpu.vector_load %arg4[%get3A_805] {strides = array<i32>} : memref<32768xf32, #tpu.memory_space<vmem>>, vector<16xf32>,
      %add3A_807 = arith.constant 96 : i32
      %add3A_808 = arith.addi %mul3A_737, %add3A_807 : i32
      %add3A_809 = vector.broadcast %add3A_808 : i32 to vector<16xi32>
      %add3A_810 = arith.addi %add3A_809, %iota3A : vector<16xi32>
      %gt3A_811 = arith.cmpf ogt, %get3A_806, %select_n3A_801 : vector<16xf32>
      %select_n3A_812 = arith.select %gt3A_811, %get3A_806, %select_n3A_801 : vector<16xi1>, vector<16xf32>
      %select_n3A_813 = arith.select %gt3A_811, %add3A_810, %select_n3A_802 : vector<16xi1>, vector<16xi32>
      %add3A_814 = arith.constant 112 : i32
      %add3A_815 = arith.addi %mul3A_737, %add3A_814 : i32
      %get3A_816 = arith.index_cast %add3A_815 : i32 to index
      %get3A_817 = tpu.vector_load %arg4[%get3A_816] {strides = array<i32>} : memref<32768xf32, #tpu.memory_space<vmem>>, vector<16xf32>,
      %add3A_818 = arith.constant 112 : i32
      %add3A_819 = arith.addi %mul3A_737, %add3A_818 : i32
      %add3A_820 = vector.broadcast %add3A_819 : i32 to vector<16xi32>
      %add3A_821 = arith.addi %add3A_820, %iota3A : vector<16xi32>
      %gt3A_822 = arith.cmpf ogt, %get3A_817, %select_n3A_812 : vector<16xf32>
      %select_n3A_823 = arith.select %gt3A_822, %get3A_817, %select_n3A_812 : vector<16xi1>, vector<16xf32>
      %select_n3A_824 = arith.select %gt3A_822, %add3A_821, %select_n3A_813 : vector<16xi1>, vector<16xi32>
      scf.yield %select_n3A_823, %select_n3A_824 : vector<16xf32>, vector<16xi32>
    }
    %scan3A_69 = arith.constant 256 : i32
    %xor3A = arith.constant 8 : i32
    %xor3A_70 = vector.broadcast %xor3A : i32 to vector<16xi32>
    %xor3A_71 = arith.xori %iota3A, %xor3A_70 : vector<16xi32>
    %broadcast_in_dim3A_72 = vector.shape_cast %xor3A_71 : vector<16xi32> to vector<16x1xi32>
    %gather3A = vector.shape_cast %broadcast_in_dim3A_72 : vector<16x1xi32> to vector<16xi32>
    %gather3A_73 = tpu.dynamic_gather %scan3A_68#0[%gather3A] in [0] : vector<16xf32>, vector<16xi32> -> vector<16xf32>
    %xor3A_74 = arith.constant 8 : i32
    %xor3A_75 = vector.broadcast %xor3A_74 : i32 to vector<16xi32>
    %xor3A_76 = arith.xori %iota3A, %xor3A_75 : vector<16xi32>
    %broadcast_in_dim3A_77 = vector.shape_cast %xor3A_76 : vector<16xi32> to vector<16x1xi32>
    %gather3A_78 = vector.shape_cast %broadcast_in_dim3A_77 : vector<16x1xi32> to vector<16xi32>
    %gather3A_79 = tpu.dynamic_gather %scan3A_68#1[%gather3A_78] in [0] : vector<16xi32>, vector<16xi32> -> vector<16xi32>
    %gt3A = arith.cmpf ogt, %gather3A_73, %scan3A_68#0 : vector<16xf32>
    %eq3A = arith.cmpf oeq, %gather3A_73, %scan3A_68#0 : vector<16xf32>
    %lt3A = arith.cmpi slt, %gather3A_79, %scan3A_68#1 : vector<16xi32>
    %and3A = arith.andi %eq3A, %lt3A : vector<16xi1>
    %or3A = arith.ori %gt3A, %and3A : vector<16xi1>
    %select_n3A = arith.select %or3A, %gather3A_73, %scan3A_68#0 : vector<16xi1>, vector<16xf32>
    %select_n3A_80 = arith.select %or3A, %gather3A_79, %scan3A_68#1 : vector<16xi1>, vector<16xi32>
    %xor3A_81 = arith.constant 4 : i32
    %xor3A_82 = vector.broadcast %xor3A_81 : i32 to vector<16xi32>
    %xor3A_83 = arith.xori %iota3A, %xor3A_82 : vector<16xi32>
    %broadcast_in_dim3A_84 = vector.shape_cast %xor3A_83 : vector<16xi32> to vector<16x1xi32>
    %gather3A_85 = vector.shape_cast %broadcast_in_dim3A_84 : vector<16x1xi32> to vector<16xi32>
    %gather3A_86 = tpu.dynamic_gather %select_n3A[%gather3A_85] in [0] : vector<16xf32>, vector<16xi32> -> vector<16xf32>
    %xor3A_87 = arith.constant 4 : i32
    %xor3A_88 = vector.broadcast %xor3A_87 : i32 to vector<16xi32>
    %xor3A_89 = arith.xori %iota3A, %xor3A_88 : vector<16xi32>
    %broadcast_in_dim3A_90 = vector.shape_cast %xor3A_89 : vector<16xi32> to vector<16x1xi32>
    %gather3A_91 = vector.shape_cast %broadcast_in_dim3A_90 : vector<16x1xi32> to vector<16xi32>
    %gather3A_92 = tpu.dynamic_gather %select_n3A_80[%gather3A_91] in [0] : vector<16xi32>, vector<16xi32> -> vector<16xi32>
    %gt3A_93 = arith.cmpf ogt, %gather3A_86, %select_n3A : vector<16xf32>
    %eq3A_94 = arith.cmpf oeq, %gather3A_86, %select_n3A : vector<16xf32>
    %lt3A_95 = arith.cmpi slt, %gather3A_92, %select_n3A_80 : vector<16xi32>
    %and3A_96 = arith.andi %eq3A_94, %lt3A_95 : vector<16xi1>
    %or3A_97 = arith.ori %gt3A_93, %and3A_96 : vector<16xi1>
    %select_n3A_98 = arith.select %or3A_97, %gather3A_86, %select_n3A : vector<16xi1>, vector<16xf32>
    %select_n3A_99 = arith.select %or3A_97, %gather3A_92, %select_n3A_80 : vector<16xi1>, vector<16xi32>
    %xor3A_100 = arith.constant 2 : i32
    %xor3A_101 = vector.broadcast %xor3A_100 : i32 to vector<16xi32>
    %xor3A_102 = arith.xori %iota3A, %xor3A_101 : vector<16xi32>
    %broadcast_in_dim3A_103 = vector.shape_cast %xor3A_102 : vector<16xi32> to vector<16x1xi32>
    %gather3A_104 = vector.shape_cast %broadcast_in_dim3A_103 : vector<16x1xi32> to vector<16xi32>
    %gather3A_105 = tpu.dynamic_gather %select_n3A_98[%gather3A_104] in [0] : vector<16xf32>, vector<16xi32> -> vector<16xf32>
    %xor3A_106 = arith.constant 2 : i32
    %xor3A_107 = vector.broadcast %xor3A_106 : i32 to vector<16xi32>
    %xor3A_108 = arith.xori %iota3A, %xor3A_107 : vector<16xi32>
    %broadcast_in_dim3A_109 = vector.shape_cast %xor3A_108 : vector<16xi32> to vector<16x1xi32>
    %gather3A_110 = vector.shape_cast %broadcast_in_dim3A_109 : vector<16x1xi32> to vector<16xi32>
    %gather3A_111 = tpu.dynamic_gather %select_n3A_99[%gather3A_110] in [0] : vector<16xi32>, vector<16xi32> -> vector<16xi32>
    %gt3A_112 = arith.cmpf ogt, %gather3A_105, %select_n3A_98 : vector<16xf32>
    %eq3A_113 = arith.cmpf oeq, %gather3A_105, %select_n3A_98 : vector<16xf32>
    %lt3A_114 = arith.cmpi slt, %gather3A_111, %select_n3A_99 : vector<16xi32>
    %and3A_115 = arith.andi %eq3A_113, %lt3A_114 : vector<16xi1>
    %or3A_116 = arith.ori %gt3A_112, %and3A_115 : vector<16xi1>
    %select_n3A_117 = arith.select %or3A_116, %gather3A_105, %select_n3A_98 : vector<16xi1>, vector<16xf32>
    %select_n3A_118 = arith.select %or3A_116, %gather3A_111, %select_n3A_99 : vector<16xi1>, vector<16xi32>
    %xor3A_119 = arith.constant 1 : i32
    %xor3A_120 = vector.broadcast %xor3A_119 : i32 to vector<16xi32>
    %xor3A_121 = arith.xori %iota3A, %xor3A_120 : vector<16xi32>
    %broadcast_in_dim3A_122 = vector.shape_cast %xor3A_121 : vector<16xi32> to vector<16x1xi32>
    %gather3A_123 = vector.shape_cast %broadcast_in_dim3A_122 : vector<16x1xi32> to vector<16xi32>
    %gather3A_124 = tpu.dynamic_gather %select_n3A_117[%gather3A_123] in [0] : vector<16xf32>, vector<16xi32> -> vector<16xf32>
    %xor3A_125 = arith.constant 1 : i32
    %xor3A_126 = vector.broadcast %xor3A_125 : i32 to vector<16xi32>
    %xor3A_127 = arith.xori %iota3A, %xor3A_126 : vector<16xi32>
    %broadcast_in_dim3A_128 = vector.shape_cast %xor3A_127 : vector<16xi32> to vector<16x1xi32>
    %gather3A_129 = vector.shape_cast %broadcast_in_dim3A_128 : vector<16x1xi32> to vector<16xi32>
    %gather3A_130 = tpu.dynamic_gather %select_n3A_118[%gather3A_129] in [0] : vector<16xi32>, vector<16xi32> -> vector<16xi32>
    %gt3A_131 = arith.cmpf ogt, %gather3A_124, %select_n3A_117 : vector<16xf32>
    %eq3A_132 = arith.cmpf oeq, %gather3A_124, %select_n3A_117 : vector<16xf32>
    %lt3A_133 = arith.cmpi slt, %gather3A_130, %select_n3A_118 : vector<16xi32>
    %and3A_134 = arith.andi %eq3A_132, %lt3A_133 : vector<16xi1>
    %or3A_135 = arith.ori %gt3A_131, %and3A_134 : vector<16xi1>
    %select_n3A_136 = arith.select %or3A_135, %gather3A_124, %select_n3A_117 : vector<16xi1>, vector<16xf32>
    %select_n3A_137 = arith.select %or3A_135, %gather3A_130, %select_n3A_118 : vector<16xi1>, vector<16xi32>
    %slice3A = vector.extract_strided_slice %select_n3A_137 {offsets = [0], sizes = [1], strides = [1]} : vector<16xi32> to vector<1xi32>
    %squeeze3A = vector.extract %slice3A[0] : i32 from vector<1xi32>
    %add3A_138 = arith.constant 0 : i32
    %add3A_139 = arith.addi %mul3A_3, %add3A_138 : i32
    %add3A_140 = arith.constant 2 : i32
    %add3A_141 = arith.addi %add3A_139, %add3A_140 : i32
    %dma_start3A_142 = arith.constant 0 : i32
    %dma_start3A_143 = tpu.memref_slice %arg2[%add3A_141, %dma_start3A_142] : memref<128x32768xf32, #tpu.memory_space<hbm>> -> memref<1x32768xf32, #tpu.memory_space<hbm>>
    %dma_start3A_144 = tpu.memref_squeeze %dma_start3A_143 : memref<1x32768xf32, #tpu.memory_space<hbm>> -> memref<32768xf32, #tpu.memory_space<hbm>>
    %dma_start3A_145 = arith.constant 0 : i32
    %dma_start3A_146 = tpu.memref_slice %arg2[%add3A_141, %dma_start3A_145] : memref<128x32768xf32, #tpu.memory_space<hbm>> -> memref<1x32768xf32, #tpu.memory_space<hbm>>
    %dma_start3A_147 = tpu.memref_squeeze %dma_start3A_146 : memref<1x32768xf32, #tpu.memory_space<hbm>> -> memref<32768xf32, #tpu.memory_space<hbm>>
    tpu.enqueue_dma source(%dma_start3A_147 : memref<32768xf32, #tpu.memory_space<hbm>>) target(%arg4 : memref<32768xf32, #tpu.memory_space<vmem>>) target_semaphore(%arg9 : memref<!tpu.dma_semaphore, #tpu.memory_space<semaphore_mem>>)
    %dma_wait3A_148 = arith.constant 0 : i32
    %dma_wait3A_149 = tpu.memref_slice %arg2[%add3A_10, %dma_wait3A_148] : memref<128x32768xf32, #tpu.memory_space<hbm>> -> memref<1x32768xf32, #tpu.memory_space<hbm>>
    %dma_wait3A_150 = tpu.memref_squeeze %dma_wait3A_149 : memref<1x32768xf32, #tpu.memory_space<hbm>> -> memref<32768xf32, #tpu.memory_space<hbm>>
    %dma_wait3A_151 = arith.constant 0 : i32
    %dma_wait3A_152 = tpu.memref_slice %arg2[%add3A_10, %dma_wait3A_151] : memref<128x32768xf32, #tpu.memory_space<hbm>> -> memref<1x32768xf32, #tpu.memory_space<hbm>>
    %dma_wait3A_153 = tpu.memref_squeeze %dma_wait3A_152 : memref<1x32768xf32, #tpu.memory_space<hbm>> -> memref<32768xf32, #tpu.memory_space<hbm>>
    tpu.wait_dma2 semaphore(%arg10 : memref<!tpu.dma_semaphore, #tpu.memory_space<semaphore_mem>>) src(%dma_wait3A_153 : memref<32768xf32, #tpu.memory_space<hbm>>) dst(%arg5 : memref<32768xf32, #tpu.memory_space<vmem>>)
    %broadcast_in_dim3A_154 = arith.constant 0xFF800000 : f32
    %broadcast_in_dim3A_155 = vector.broadcast %broadcast_in_dim3A_154 : f32 to vector<16xf32>
    %broadcast_in_dim3A_156 = arith.constant 0 : i32
    %broadcast_in_dim3A_157 = vector.broadcast %broadcast_in_dim3A_156 : i32 to vector<16xi32>
    %scan3A_158 = arith.constant 0 : i32
    %scan3A_159 = arith.constant 256 : i32
    %scan3A_160 = arith.addi %scan3A_158, %scan3A_159 : i32
    %scan3A_161 = arith.constant 1 : i32
    %scan3A_162:2 = scf.for %scan3A_733 = %scan3A_158 to %scan3A_160 step %scan3A_161 iter_args(%scan3A_734 = %broadcast_in_dim3A_155, %scan3A_735 = %broadcast_in_dim3A_157) -> (vector<16xf32>, vector<16xi32>)  : i32 {
      %mul3A_736 = arith.constant 128 : i32
      %mul3A_737 = arith.muli %scan3A_733, %mul3A_736 : i32
      %add3A_738 = arith.constant 0 : i32
      %add3A_739 = arith.addi %mul3A_737, %add3A_738 : i32
      %get3A = arith.index_cast %add3A_739 : i32 to index
      %get3A_740 = tpu.vector_load %arg5[%get3A] {strides = array<i32>} : memref<32768xf32, #tpu.memory_space<vmem>>, vector<16xf32>,
      %add3A_741 = arith.constant 0 : i32
      %add3A_742 = arith.addi %mul3A_737, %add3A_741 : i32
      %add3A_743 = vector.broadcast %add3A_742 : i32 to vector<16xi32>
      %add3A_744 = arith.addi %add3A_743, %iota3A : vector<16xi32>
      %gt3A_745 = arith.cmpf ogt, %get3A_740, %scan3A_734 : vector<16xf32>
      %select_n3A_746 = arith.select %gt3A_745, %get3A_740, %scan3A_734 : vector<16xi1>, vector<16xf32>
      %select_n3A_747 = arith.select %gt3A_745, %add3A_744, %scan3A_735 : vector<16xi1>, vector<16xi32>
      %add3A_748 = arith.constant 16 : i32
      %add3A_749 = arith.addi %mul3A_737, %add3A_748 : i32
      %get3A_750 = arith.index_cast %add3A_749 : i32 to index
      %get3A_751 = tpu.vector_load %arg5[%get3A_750] {strides = array<i32>} : memref<32768xf32, #tpu.memory_space<vmem>>, vector<16xf32>,
      %add3A_752 = arith.constant 16 : i32
      %add3A_753 = arith.addi %mul3A_737, %add3A_752 : i32
      %add3A_754 = vector.broadcast %add3A_753 : i32 to vector<16xi32>
      %add3A_755 = arith.addi %add3A_754, %iota3A : vector<16xi32>
      %gt3A_756 = arith.cmpf ogt, %get3A_751, %select_n3A_746 : vector<16xf32>
      %select_n3A_757 = arith.select %gt3A_756, %get3A_751, %select_n3A_746 : vector<16xi1>, vector<16xf32>
      %select_n3A_758 = arith.select %gt3A_756, %add3A_755, %select_n3A_747 : vector<16xi1>, vector<16xi32>
      %add3A_759 = arith.constant 32 : i32
      %add3A_760 = arith.addi %mul3A_737, %add3A_759 : i32
      %get3A_761 = arith.index_cast %add3A_760 : i32 to index
      %get3A_762 = tpu.vector_load %arg5[%get3A_761] {strides = array<i32>} : memref<32768xf32, #tpu.memory_space<vmem>>, vector<16xf32>,
      %add3A_763 = arith.constant 32 : i32
      %add3A_764 = arith.addi %mul3A_737, %add3A_763 : i32
      %add3A_765 = vector.broadcast %add3A_764 : i32 to vector<16xi32>
      %add3A_766 = arith.addi %add3A_765, %iota3A : vector<16xi32>
      %gt3A_767 = arith.cmpf ogt, %get3A_762, %select_n3A_757 : vector<16xf32>
      %select_n3A_768 = arith.select %gt3A_767, %get3A_762, %select_n3A_757 : vector<16xi1>, vector<16xf32>
      %select_n3A_769 = arith.select %gt3A_767, %add3A_766, %select_n3A_758 : vector<16xi1>, vector<16xi32>
      %add3A_770 = arith.constant 48 : i32
      %add3A_771 = arith.addi %mul3A_737, %add3A_770 : i32
      %get3A_772 = arith.index_cast %add3A_771 : i32 to index
      %get3A_773 = tpu.vector_load %arg5[%get3A_772] {strides = array<i32>} : memref<32768xf32, #tpu.memory_space<vmem>>, vector<16xf32>,
      %add3A_774 = arith.constant 48 : i32
      %add3A_775 = arith.addi %mul3A_737, %add3A_774 : i32
      %add3A_776 = vector.broadcast %add3A_775 : i32 to vector<16xi32>
      %add3A_777 = arith.addi %add3A_776, %iota3A : vector<16xi32>
      %gt3A_778 = arith.cmpf ogt, %get3A_773, %select_n3A_768 : vector<16xf32>
      %select_n3A_779 = arith.select %gt3A_778, %get3A_773, %select_n3A_768 : vector<16xi1>, vector<16xf32>
      %select_n3A_780 = arith.select %gt3A_778, %add3A_777, %select_n3A_769 : vector<16xi1>, vector<16xi32>
      %add3A_781 = arith.constant 64 : i32
      %add3A_782 = arith.addi %mul3A_737, %add3A_781 : i32
      %get3A_783 = arith.index_cast %add3A_782 : i32 to index
      %get3A_784 = tpu.vector_load %arg5[%get3A_783] {strides = array<i32>} : memref<32768xf32, #tpu.memory_space<vmem>>, vector<16xf32>,
      %add3A_785 = arith.constant 64 : i32
      %add3A_786 = arith.addi %mul3A_737, %add3A_785 : i32
      %add3A_787 = vector.broadcast %add3A_786 : i32 to vector<16xi32>
      %add3A_788 = arith.addi %add3A_787, %iota3A : vector<16xi32>
      %gt3A_789 = arith.cmpf ogt, %get3A_784, %select_n3A_779 : vector<16xf32>
      %select_n3A_790 = arith.select %gt3A_789, %get3A_784, %select_n3A_779 : vector<16xi1>, vector<16xf32>
      %select_n3A_791 = arith.select %gt3A_789, %add3A_788, %select_n3A_780 : vector<16xi1>, vector<16xi32>
      %add3A_792 = arith.constant 80 : i32
      %add3A_793 = arith.addi %mul3A_737, %add3A_792 : i32
      %get3A_794 = arith.index_cast %add3A_793 : i32 to index
      %get3A_795 = tpu.vector_load %arg5[%get3A_794] {strides = array<i32>} : memref<32768xf32, #tpu.memory_space<vmem>>, vector<16xf32>,
      %add3A_796 = arith.constant 80 : i32
      %add3A_797 = arith.addi %mul3A_737, %add3A_796 : i32
      %add3A_798 = vector.broadcast %add3A_797 : i32 to vector<16xi32>
      %add3A_799 = arith.addi %add3A_798, %iota3A : vector<16xi32>
      %gt3A_800 = arith.cmpf ogt, %get3A_795, %select_n3A_790 : vector<16xf32>
      %select_n3A_801 = arith.select %gt3A_800, %get3A_795, %select_n3A_790 : vector<16xi1>, vector<16xf32>
      %select_n3A_802 = arith.select %gt3A_800, %add3A_799, %select_n3A_791 : vector<16xi1>, vector<16xi32>
      %add3A_803 = arith.constant 96 : i32
      %add3A_804 = arith.addi %mul3A_737, %add3A_803 : i32
      %get3A_805 = arith.index_cast %add3A_804 : i32 to index
      %get3A_806 = tpu.vector_load %arg5[%get3A_805] {strides = array<i32>} : memref<32768xf32, #tpu.memory_space<vmem>>, vector<16xf32>,
      %add3A_807 = arith.constant 96 : i32
      %add3A_808 = arith.addi %mul3A_737, %add3A_807 : i32
      %add3A_809 = vector.broadcast %add3A_808 : i32 to vector<16xi32>
      %add3A_810 = arith.addi %add3A_809, %iota3A : vector<16xi32>
      %gt3A_811 = arith.cmpf ogt, %get3A_806, %select_n3A_801 : vector<16xf32>
      %select_n3A_812 = arith.select %gt3A_811, %get3A_806, %select_n3A_801 : vector<16xi1>, vector<16xf32>
      %select_n3A_813 = arith.select %gt3A_811, %add3A_810, %select_n3A_802 : vector<16xi1>, vector<16xi32>
      %add3A_814 = arith.constant 112 : i32
      %add3A_815 = arith.addi %mul3A_737, %add3A_814 : i32
      %get3A_816 = arith.index_cast %add3A_815 : i32 to index
      %get3A_817 = tpu.vector_load %arg5[%get3A_816] {strides = array<i32>} : memref<32768xf32, #tpu.memory_space<vmem>>, vector<16xf32>,
      %add3A_818 = arith.constant 112 : i32
      %add3A_819 = arith.addi %mul3A_737, %add3A_818 : i32
      %add3A_820 = vector.broadcast %add3A_819 : i32 to vector<16xi32>
      %add3A_821 = arith.addi %add3A_820, %iota3A : vector<16xi32>
      %gt3A_822 = arith.cmpf ogt, %get3A_817, %select_n3A_812 : vector<16xf32>
      %select_n3A_823 = arith.select %gt3A_822, %get3A_817, %select_n3A_812 : vector<16xi1>, vector<16xf32>
      %select_n3A_824 = arith.select %gt3A_822, %add3A_821, %select_n3A_813 : vector<16xi1>, vector<16xi32>
      scf.yield %select_n3A_823, %select_n3A_824 : vector<16xf32>, vector<16xi32>
    }
    %scan3A_163 = arith.constant 256 : i32
    %xor3A_164 = arith.constant 8 : i32
    %xor3A_165 = vector.broadcast %xor3A_164 : i32 to vector<16xi32>
    %xor3A_166 = arith.xori %iota3A, %xor3A_165 : vector<16xi32>
    %broadcast_in_dim3A_167 = vector.shape_cast %xor3A_166 : vector<16xi32> to vector<16x1xi32>
    %gather3A_168 = vector.shape_cast %broadcast_in_dim3A_167 : vector<16x1xi32> to vector<16xi32>
    %gather3A_169 = tpu.dynamic_gather %scan3A_162#0[%gather3A_168] in [0] : vector<16xf32>, vector<16xi32> -> vector<16xf32>
    %xor3A_170 = arith.constant 8 : i32
    %xor3A_171 = vector.broadcast %xor3A_170 : i32 to vector<16xi32>
    %xor3A_172 = arith.xori %iota3A, %xor3A_171 : vector<16xi32>
    %broadcast_in_dim3A_173 = vector.shape_cast %xor3A_172 : vector<16xi32> to vector<16x1xi32>
    %gather3A_174 = vector.shape_cast %broadcast_in_dim3A_173 : vector<16x1xi32> to vector<16xi32>
    %gather3A_175 = tpu.dynamic_gather %scan3A_162#1[%gather3A_174] in [0] : vector<16xi32>, vector<16xi32> -> vector<16xi32>
    %gt3A_176 = arith.cmpf ogt, %gather3A_169, %scan3A_162#0 : vector<16xf32>
    %eq3A_177 = arith.cmpf oeq, %gather3A_169, %scan3A_162#0 : vector<16xf32>
    %lt3A_178 = arith.cmpi slt, %gather3A_175, %scan3A_162#1 : vector<16xi32>
    %and3A_179 = arith.andi %eq3A_177, %lt3A_178 : vector<16xi1>
    %or3A_180 = arith.ori %gt3A_176, %and3A_179 : vector<16xi1>
    %select_n3A_181 = arith.select %or3A_180, %gather3A_169, %scan3A_162#0 : vector<16xi1>, vector<16xf32>
    %select_n3A_182 = arith.select %or3A_180, %gather3A_175, %scan3A_162#1 : vector<16xi1>, vector<16xi32>
    %xor3A_183 = arith.constant 4 : i32
    %xor3A_184 = vector.broadcast %xor3A_183 : i32 to vector<16xi32>
    %xor3A_185 = arith.xori %iota3A, %xor3A_184 : vector<16xi32>
    %broadcast_in_dim3A_186 = vector.shape_cast %xor3A_185 : vector<16xi32> to vector<16x1xi32>
    %gather3A_187 = vector.shape_cast %broadcast_in_dim3A_186 : vector<16x1xi32> to vector<16xi32>
    %gather3A_188 = tpu.dynamic_gather %select_n3A_181[%gather3A_187] in [0] : vector<16xf32>, vector<16xi32> -> vector<16xf32>
    %xor3A_189 = arith.constant 4 : i32
    %xor3A_190 = vector.broadcast %xor3A_189 : i32 to vector<16xi32>
    %xor3A_191 = arith.xori %iota3A, %xor3A_190 : vector<16xi32>
    %broadcast_in_dim3A_192 = vector.shape_cast %xor3A_191 : vector<16xi32> to vector<16x1xi32>
    %gather3A_193 = vector.shape_cast %broadcast_in_dim3A_192 : vector<16x1xi32> to vector<16xi32>
    %gather3A_194 = tpu.dynamic_gather %select_n3A_182[%gather3A_193] in [0] : vector<16xi32>, vector<16xi32> -> vector<16xi32>
    %gt3A_195 = arith.cmpf ogt, %gather3A_188, %select_n3A_181 : vector<16xf32>
    %eq3A_196 = arith.cmpf oeq, %gather3A_188, %select_n3A_181 : vector<16xf32>
    %lt3A_197 = arith.cmpi slt, %gather3A_194, %select_n3A_182 : vector<16xi32>
    %and3A_198 = arith.andi %eq3A_196, %lt3A_197 : vector<16xi1>
    %or3A_199 = arith.ori %gt3A_195, %and3A_198 : vector<16xi1>
    %select_n3A_200 = arith.select %or3A_199, %gather3A_188, %select_n3A_181 : vector<16xi1>, vector<16xf32>
    %select_n3A_201 = arith.select %or3A_199, %gather3A_194, %select_n3A_182 : vector<16xi1>, vector<16xi32>
    %xor3A_202 = arith.constant 2 : i32
    %xor3A_203 = vector.broadcast %xor3A_202 : i32 to vector<16xi32>
    %xor3A_204 = arith.xori %iota3A, %xor3A_203 : vector<16xi32>
    %broadcast_in_dim3A_205 = vector.shape_cast %xor3A_204 : vector<16xi32> to vector<16x1xi32>
    %gather3A_206 = vector.shape_cast %broadcast_in_dim3A_205 : vector<16x1xi32> to vector<16xi32>
    %gather3A_207 = tpu.dynamic_gather %select_n3A_200[%gather3A_206] in [0] : vector<16xf32>, vector<16xi32> -> vector<16xf32>
    %xor3A_208 = arith.constant 2 : i32
    %xor3A_209 = vector.broadcast %xor3A_208 : i32 to vector<16xi32>
    %xor3A_210 = arith.xori %iota3A, %xor3A_209 : vector<16xi32>
    %broadcast_in_dim3A_211 = vector.shape_cast %xor3A_210 : vector<16xi32> to vector<16x1xi32>
    %gather3A_212 = vector.shape_cast %broadcast_in_dim3A_211 : vector<16x1xi32> to vector<16xi32>
    %gather3A_213 = tpu.dynamic_gather %select_n3A_201[%gather3A_212] in [0] : vector<16xi32>, vector<16xi32> -> vector<16xi32>
    %gt3A_214 = arith.cmpf ogt, %gather3A_207, %select_n3A_200 : vector<16xf32>
    %eq3A_215 = arith.cmpf oeq, %gather3A_207, %select_n3A_200 : vector<16xf32>
    %lt3A_216 = arith.cmpi slt, %gather3A_213, %select_n3A_201 : vector<16xi32>
    %and3A_217 = arith.andi %eq3A_215, %lt3A_216 : vector<16xi1>
    %or3A_218 = arith.ori %gt3A_214, %and3A_217 : vector<16xi1>
    %select_n3A_219 = arith.select %or3A_218, %gather3A_207, %select_n3A_200 : vector<16xi1>, vector<16xf32>
    %select_n3A_220 = arith.select %or3A_218, %gather3A_213, %select_n3A_201 : vector<16xi1>, vector<16xi32>
    %xor3A_221 = arith.constant 1 : i32
    %xor3A_222 = vector.broadcast %xor3A_221 : i32 to vector<16xi32>
    %xor3A_223 = arith.xori %iota3A, %xor3A_222 : vector<16xi32>
    %broadcast_in_dim3A_224 = vector.shape_cast %xor3A_223 : vector<16xi32> to vector<16x1xi32>
    %gather3A_225 = vector.shape_cast %broadcast_in_dim3A_224 : vector<16x1xi32> to vector<16xi32>
    %gather3A_226 = tpu.dynamic_gather %select_n3A_219[%gather3A_225] in [0] : vector<16xf32>, vector<16xi32> -> vector<16xf32>
    %xor3A_227 = arith.constant 1 : i32
    %xor3A_228 = vector.broadcast %xor3A_227 : i32 to vector<16xi32>
    %xor3A_229 = arith.xori %iota3A, %xor3A_228 : vector<16xi32>
    %broadcast_in_dim3A_230 = vector.shape_cast %xor3A_229 : vector<16xi32> to vector<16x1xi32>
    %gather3A_231 = vector.shape_cast %broadcast_in_dim3A_230 : vector<16x1xi32> to vector<16xi32>
    %gather3A_232 = tpu.dynamic_gather %select_n3A_220[%gather3A_231] in [0] : vector<16xi32>, vector<16xi32> -> vector<16xi32>
    %gt3A_233 = arith.cmpf ogt, %gather3A_226, %select_n3A_219 : vector<16xf32>
    %eq3A_234 = arith.cmpf oeq, %gather3A_226, %select_n3A_219 : vector<16xf32>
    %lt3A_235 = arith.cmpi slt, %gather3A_232, %select_n3A_220 : vector<16xi32>
    %and3A_236 = arith.andi %eq3A_234, %lt3A_235 : vector<16xi1>
    %or3A_237 = arith.ori %gt3A_233, %and3A_236 : vector<16xi1>
    %select_n3A_238 = arith.select %or3A_237, %gather3A_226, %select_n3A_219 : vector<16xi1>, vector<16xf32>
    %select_n3A_239 = arith.select %or3A_237, %gather3A_232, %select_n3A_220 : vector<16xi1>, vector<16xi32>
    %slice3A_240 = vector.extract_strided_slice %select_n3A_239 {offsets = [0], sizes = [1], strides = [1]} : vector<16xi32> to vector<1xi32>
    %squeeze3A_241 = vector.extract %slice3A_240[0] : i32 from vector<1xi32>
    %add3A_242 = arith.constant 1 : i32
    %add3A_243 = arith.addi %mul3A_3, %add3A_242 : i32
    %add3A_244 = arith.constant 2 : i32
    %add3A_245 = arith.addi %add3A_243, %add3A_244 : i32
    %dma_start3A_246 = arith.constant 0 : i32
    %dma_start3A_247 = tpu.memref_slice %arg2[%add3A_245, %dma_start3A_246] : memref<128x32768xf32, #tpu.memory_space<hbm>> -> memref<1x32768xf32, #tpu.memory_space<hbm>>
    %dma_start3A_248 = tpu.memref_squeeze %dma_start3A_247 : memref<1x32768xf32, #tpu.memory_space<hbm>> -> memref<32768xf32, #tpu.memory_space<hbm>>
    %dma_start3A_249 = arith.constant 0 : i32
    %dma_start3A_250 = tpu.memref_slice %arg2[%add3A_245, %dma_start3A_249] : memref<128x32768xf32, #tpu.memory_space<hbm>> -> memref<1x32768xf32, #tpu.memory_space<hbm>>
    %dma_start3A_251 = tpu.memref_squeeze %dma_start3A_250 : memref<1x32768xf32, #tpu.memory_space<hbm>> -> memref<32768xf32, #tpu.memory_space<hbm>>
    tpu.enqueue_dma source(%dma_start3A_251 : memref<32768xf32, #tpu.memory_space<hbm>>) target(%arg5 : memref<32768xf32, #tpu.memory_space<vmem>>) target_semaphore(%arg10 : memref<!tpu.dma_semaphore, #tpu.memory_space<semaphore_mem>>)
    %dma_wait3A_252 = arith.constant 0 : i32
    %dma_wait3A_253 = tpu.memref_slice %arg2[%add3A_141, %dma_wait3A_252] : memref<128x32768xf32, #tpu.memory_space<hbm>> -> memref<1x32768xf32, #tpu.memory_space<hbm>>
    %dma_wait3A_254 = tpu.memref_squeeze %dma_wait3A_253 : memref<1x32768xf32, #tpu.memory_space<hbm>> -> memref<32768xf32, #tpu.memory_space<hbm>>
    %dma_wait3A_255 = arith.constant 0 : i32
    %dma_wait3A_256 = tpu.memref_slice %arg2[%add3A_141, %dma_wait3A_255] : memref<128x32768xf32, #tpu.memory_space<hbm>> -> memref<1x32768xf32, #tpu.memory_space<hbm>>
    %dma_wait3A_257 = tpu.memref_squeeze %dma_wait3A_256 : memref<1x32768xf32, #tpu.memory_space<hbm>> -> memref<32768xf32, #tpu.memory_space<hbm>>
    tpu.wait_dma2 semaphore(%arg9 : memref<!tpu.dma_semaphore, #tpu.memory_space<semaphore_mem>>) src(%dma_wait3A_257 : memref<32768xf32, #tpu.memory_space<hbm>>) dst(%arg4 : memref<32768xf32, #tpu.memory_space<vmem>>)
    %broadcast_in_dim3A_258 = arith.constant 0xFF800000 : f32
    %broadcast_in_dim3A_259 = vector.broadcast %broadcast_in_dim3A_258 : f32 to vector<16xf32>
    %broadcast_in_dim3A_260 = arith.constant 0 : i32
    %broadcast_in_dim3A_261 = vector.broadcast %broadcast_in_dim3A_260 : i32 to vector<16xi32>
    %scan3A_262 = arith.constant 0 : i32
    %scan3A_263 = arith.constant 256 : i32
    %scan3A_264 = arith.addi %scan3A_262, %scan3A_263 : i32
    %scan3A_265 = arith.constant 1 : i32
    %scan3A_266:2 = scf.for %scan3A_733 = %scan3A_262 to %scan3A_264 step %scan3A_265 iter_args(%scan3A_734 = %broadcast_in_dim3A_259, %scan3A_735 = %broadcast_in_dim3A_261) -> (vector<16xf32>, vector<16xi32>)  : i32 {
      %mul3A_736 = arith.constant 128 : i32
      %mul3A_737 = arith.muli %scan3A_733, %mul3A_736 : i32
      %add3A_738 = arith.constant 0 : i32
      %add3A_739 = arith.addi %mul3A_737, %add3A_738 : i32
      %get3A = arith.index_cast %add3A_739 : i32 to index
      %get3A_740 = tpu.vector_load %arg4[%get3A] {strides = array<i32>} : memref<32768xf32, #tpu.memory_space<vmem>>, vector<16xf32>,
      %add3A_741 = arith.constant 0 : i32
      %add3A_742 = arith.addi %mul3A_737, %add3A_741 : i32
      %add3A_743 = vector.broadcast %add3A_742 : i32 to vector<16xi32>
      %add3A_744 = arith.addi %add3A_743, %iota3A : vector<16xi32>
      %gt3A_745 = arith.cmpf ogt, %get3A_740, %scan3A_734 : vector<16xf32>
      %select_n3A_746 = arith.select %gt3A_745, %get3A_740, %scan3A_734 : vector<16xi1>, vector<16xf32>
      %select_n3A_747 = arith.select %gt3A_745, %add3A_744, %scan3A_735 : vector<16xi1>, vector<16xi32>
      %add3A_748 = arith.constant 16 : i32
      %add3A_749 = arith.addi %mul3A_737, %add3A_748 : i32
      %get3A_750 = arith.index_cast %add3A_749 : i32 to index
      %get3A_751 = tpu.vector_load %arg4[%get3A_750] {strides = array<i32>} : memref<32768xf32, #tpu.memory_space<vmem>>, vector<16xf32>,
      %add3A_752 = arith.constant 16 : i32
      %add3A_753 = arith.addi %mul3A_737, %add3A_752 : i32
      %add3A_754 = vector.broadcast %add3A_753 : i32 to vector<16xi32>
      %add3A_755 = arith.addi %add3A_754, %iota3A : vector<16xi32>
      %gt3A_756 = arith.cmpf ogt, %get3A_751, %select_n3A_746 : vector<16xf32>
      %select_n3A_757 = arith.select %gt3A_756, %get3A_751, %select_n3A_746 : vector<16xi1>, vector<16xf32>
      %select_n3A_758 = arith.select %gt3A_756, %add3A_755, %select_n3A_747 : vector<16xi1>, vector<16xi32>
      %add3A_759 = arith.constant 32 : i32
      %add3A_760 = arith.addi %mul3A_737, %add3A_759 : i32
      %get3A_761 = arith.index_cast %add3A_760 : i32 to index
      %get3A_762 = tpu.vector_load %arg4[%get3A_761] {strides = array<i32>} : memref<32768xf32, #tpu.memory_space<vmem>>, vector<16xf32>,
      %add3A_763 = arith.constant 32 : i32
      %add3A_764 = arith.addi %mul3A_737, %add3A_763 : i32
      %add3A_765 = vector.broadcast %add3A_764 : i32 to vector<16xi32>
      %add3A_766 = arith.addi %add3A_765, %iota3A : vector<16xi32>
      %gt3A_767 = arith.cmpf ogt, %get3A_762, %select_n3A_757 : vector<16xf32>
      %select_n3A_768 = arith.select %gt3A_767, %get3A_762, %select_n3A_757 : vector<16xi1>, vector<16xf32>
      %select_n3A_769 = arith.select %gt3A_767, %add3A_766, %select_n3A_758 : vector<16xi1>, vector<16xi32>
      %add3A_770 = arith.constant 48 : i32
      %add3A_771 = arith.addi %mul3A_737, %add3A_770 : i32
      %get3A_772 = arith.index_cast %add3A_771 : i32 to index
      %get3A_773 = tpu.vector_load %arg4[%get3A_772] {strides = array<i32>} : memref<32768xf32, #tpu.memory_space<vmem>>, vector<16xf32>,
      %add3A_774 = arith.constant 48 : i32
      %add3A_775 = arith.addi %mul3A_737, %add3A_774 : i32
      %add3A_776 = vector.broadcast %add3A_775 : i32 to vector<16xi32>
      %add3A_777 = arith.addi %add3A_776, %iota3A : vector<16xi32>
      %gt3A_778 = arith.cmpf ogt, %get3A_773, %select_n3A_768 : vector<16xf32>
      %select_n3A_779 = arith.select %gt3A_778, %get3A_773, %select_n3A_768 : vector<16xi1>, vector<16xf32>
      %select_n3A_780 = arith.select %gt3A_778, %add3A_777, %select_n3A_769 : vector<16xi1>, vector<16xi32>
      %add3A_781 = arith.constant 64 : i32
      %add3A_782 = arith.addi %mul3A_737, %add3A_781 : i32
      %get3A_783 = arith.index_cast %add3A_782 : i32 to index
      %get3A_784 = tpu.vector_load %arg4[%get3A_783] {strides = array<i32>} : memref<32768xf32, #tpu.memory_space<vmem>>, vector<16xf32>,
      %add3A_785 = arith.constant 64 : i32
      %add3A_786 = arith.addi %mul3A_737, %add3A_785 : i32
      %add3A_787 = vector.broadcast %add3A_786 : i32 to vector<16xi32>
      %add3A_788 = arith.addi %add3A_787, %iota3A : vector<16xi32>
      %gt3A_789 = arith.cmpf ogt, %get3A_784, %select_n3A_779 : vector<16xf32>
      %select_n3A_790 = arith.select %gt3A_789, %get3A_784, %select_n3A_779 : vector<16xi1>, vector<16xf32>
      %select_n3A_791 = arith.select %gt3A_789, %add3A_788, %select_n3A_780 : vector<16xi1>, vector<16xi32>
      %add3A_792 = arith.constant 80 : i32
      %add3A_793 = arith.addi %mul3A_737, %add3A_792 : i32
      %get3A_794 = arith.index_cast %add3A_793 : i32 to index
      %get3A_795 = tpu.vector_load %arg4[%get3A_794] {strides = array<i32>} : memref<32768xf32, #tpu.memory_space<vmem>>, vector<16xf32>,
      %add3A_796 = arith.constant 80 : i32
      %add3A_797 = arith.addi %mul3A_737, %add3A_796 : i32
      %add3A_798 = vector.broadcast %add3A_797 : i32 to vector<16xi32>
      %add3A_799 = arith.addi %add3A_798, %iota3A : vector<16xi32>
      %gt3A_800 = arith.cmpf ogt, %get3A_795, %select_n3A_790 : vector<16xf32>
      %select_n3A_801 = arith.select %gt3A_800, %get3A_795, %select_n3A_790 : vector<16xi1>, vector<16xf32>
      %select_n3A_802 = arith.select %gt3A_800, %add3A_799, %select_n3A_791 : vector<16xi1>, vector<16xi32>
      %add3A_803 = arith.constant 96 : i32
      %add3A_804 = arith.addi %mul3A_737, %add3A_803 : i32
      %get3A_805 = arith.index_cast %add3A_804 : i32 to index
      %get3A_806 = tpu.vector_load %arg4[%get3A_805] {strides = array<i32>} : memref<32768xf32, #tpu.memory_space<vmem>>, vector<16xf32>,
      %add3A_807 = arith.constant 96 : i32
      %add3A_808 = arith.addi %mul3A_737, %add3A_807 : i32
      %add3A_809 = vector.broadcast %add3A_808 : i32 to vector<16xi32>
      %add3A_810 = arith.addi %add3A_809, %iota3A : vector<16xi32>
      %gt3A_811 = arith.cmpf ogt, %get3A_806, %select_n3A_801 : vector<16xf32>
      %select_n3A_812 = arith.select %gt3A_811, %get3A_806, %select_n3A_801 : vector<16xi1>, vector<16xf32>
      %select_n3A_813 = arith.select %gt3A_811, %add3A_810, %select_n3A_802 : vector<16xi1>, vector<16xi32>
      %add3A_814 = arith.constant 112 : i32
      %add3A_815 = arith.addi %mul3A_737, %add3A_814 : i32
      %get3A_816 = arith.index_cast %add3A_815 : i32 to index
      %get3A_817 = tpu.vector_load %arg4[%get3A_816] {strides = array<i32>} : memref<32768xf32, #tpu.memory_space<vmem>>, vector<16xf32>,
      %add3A_818 = arith.constant 112 : i32
      %add3A_819 = arith.addi %mul3A_737, %add3A_818 : i32
      %add3A_820 = vector.broadcast %add3A_819 : i32 to vector<16xi32>
      %add3A_821 = arith.addi %add3A_820, %iota3A : vector<16xi32>
      %gt3A_822 = arith.cmpf ogt, %get3A_817, %select_n3A_812 : vector<16xf32>
      %select_n3A_823 = arith.select %gt3A_822, %get3A_817, %select_n3A_812 : vector<16xi1>, vector<16xf32>
      %select_n3A_824 = arith.select %gt3A_822, %add3A_821, %select_n3A_813 : vector<16xi1>, vector<16xi32>
      scf.yield %select_n3A_823, %select_n3A_824 : vector<16xf32>, vector<16xi32>
    }
    %scan3A_267 = arith.constant 256 : i32
    %xor3A_268 = arith.constant 8 : i32
    %xor3A_269 = vector.broadcast %xor3A_268 : i32 to vector<16xi32>
    %xor3A_270 = arith.xori %iota3A, %xor3A_269 : vector<16xi32>
    %broadcast_in_dim3A_271 = vector.shape_cast %xor3A_270 : vector<16xi32> to vector<16x1xi32>
    %gather3A_272 = vector.shape_cast %broadcast_in_dim3A_271 : vector<16x1xi32> to vector<16xi32>
    %gather3A_273 = tpu.dynamic_gather %scan3A_266#0[%gather3A_272] in [0] : vector<16xf32>, vector<16xi32> -> vector<16xf32>
    %xor3A_274 = arith.constant 8 : i32
    %xor3A_275 = vector.broadcast %xor3A_274 : i32 to vector<16xi32>
    %xor3A_276 = arith.xori %iota3A, %xor3A_275 : vector<16xi32>
    %broadcast_in_dim3A_277 = vector.shape_cast %xor3A_276 : vector<16xi32> to vector<16x1xi32>
    %gather3A_278 = vector.shape_cast %broadcast_in_dim3A_277 : vector<16x1xi32> to vector<16xi32>
    %gather3A_279 = tpu.dynamic_gather %scan3A_266#1[%gather3A_278] in [0] : vector<16xi32>, vector<16xi32> -> vector<16xi32>
    %gt3A_280 = arith.cmpf ogt, %gather3A_273, %scan3A_266#0 : vector<16xf32>
    %eq3A_281 = arith.cmpf oeq, %gather3A_273, %scan3A_266#0 : vector<16xf32>
    %lt3A_282 = arith.cmpi slt, %gather3A_279, %scan3A_266#1 : vector<16xi32>
    %and3A_283 = arith.andi %eq3A_281, %lt3A_282 : vector<16xi1>
    %or3A_284 = arith.ori %gt3A_280, %and3A_283 : vector<16xi1>
    %select_n3A_285 = arith.select %or3A_284, %gather3A_273, %scan3A_266#0 : vector<16xi1>, vector<16xf32>
    %select_n3A_286 = arith.select %or3A_284, %gather3A_279, %scan3A_266#1 : vector<16xi1>, vector<16xi32>
    %xor3A_287 = arith.constant 4 : i32
    %xor3A_288 = vector.broadcast %xor3A_287 : i32 to vector<16xi32>
    %xor3A_289 = arith.xori %iota3A, %xor3A_288 : vector<16xi32>
    %broadcast_in_dim3A_290 = vector.shape_cast %xor3A_289 : vector<16xi32> to vector<16x1xi32>
    %gather3A_291 = vector.shape_cast %broadcast_in_dim3A_290 : vector<16x1xi32> to vector<16xi32>
    %gather3A_292 = tpu.dynamic_gather %select_n3A_285[%gather3A_291] in [0] : vector<16xf32>, vector<16xi32> -> vector<16xf32>
    %xor3A_293 = arith.constant 4 : i32
    %xor3A_294 = vector.broadcast %xor3A_293 : i32 to vector<16xi32>
    %xor3A_295 = arith.xori %iota3A, %xor3A_294 : vector<16xi32>
    %broadcast_in_dim3A_296 = vector.shape_cast %xor3A_295 : vector<16xi32> to vector<16x1xi32>
    %gather3A_297 = vector.shape_cast %broadcast_in_dim3A_296 : vector<16x1xi32> to vector<16xi32>
    %gather3A_298 = tpu.dynamic_gather %select_n3A_286[%gather3A_297] in [0] : vector<16xi32>, vector<16xi32> -> vector<16xi32>
    %gt3A_299 = arith.cmpf ogt, %gather3A_292, %select_n3A_285 : vector<16xf32>
    %eq3A_300 = arith.cmpf oeq, %gather3A_292, %select_n3A_285 : vector<16xf32>
    %lt3A_301 = arith.cmpi slt, %gather3A_298, %select_n3A_286 : vector<16xi32>
    %and3A_302 = arith.andi %eq3A_300, %lt3A_301 : vector<16xi1>
    %or3A_303 = arith.ori %gt3A_299, %and3A_302 : vector<16xi1>
    %select_n3A_304 = arith.select %or3A_303, %gather3A_292, %select_n3A_285 : vector<16xi1>, vector<16xf32>
    %select_n3A_305 = arith.select %or3A_303, %gather3A_298, %select_n3A_286 : vector<16xi1>, vector<16xi32>
    %xor3A_306 = arith.constant 2 : i32
    %xor3A_307 = vector.broadcast %xor3A_306 : i32 to vector<16xi32>
    %xor3A_308 = arith.xori %iota3A, %xor3A_307 : vector<16xi32>
    %broadcast_in_dim3A_309 = vector.shape_cast %xor3A_308 : vector<16xi32> to vector<16x1xi32>
    %gather3A_310 = vector.shape_cast %broadcast_in_dim3A_309 : vector<16x1xi32> to vector<16xi32>
    %gather3A_311 = tpu.dynamic_gather %select_n3A_304[%gather3A_310] in [0] : vector<16xf32>, vector<16xi32> -> vector<16xf32>
    %xor3A_312 = arith.constant 2 : i32
    %xor3A_313 = vector.broadcast %xor3A_312 : i32 to vector<16xi32>
    %xor3A_314 = arith.xori %iota3A, %xor3A_313 : vector<16xi32>
    %broadcast_in_dim3A_315 = vector.shape_cast %xor3A_314 : vector<16xi32> to vector<16x1xi32>
    %gather3A_316 = vector.shape_cast %broadcast_in_dim3A_315 : vector<16x1xi32> to vector<16xi32>
    %gather3A_317 = tpu.dynamic_gather %select_n3A_305[%gather3A_316] in [0] : vector<16xi32>, vector<16xi32> -> vector<16xi32>
    %gt3A_318 = arith.cmpf ogt, %gather3A_311, %select_n3A_304 : vector<16xf32>
    %eq3A_319 = arith.cmpf oeq, %gather3A_311, %select_n3A_304 : vector<16xf32>
    %lt3A_320 = arith.cmpi slt, %gather3A_317, %select_n3A_305 : vector<16xi32>
    %and3A_321 = arith.andi %eq3A_319, %lt3A_320 : vector<16xi1>
    %or3A_322 = arith.ori %gt3A_318, %and3A_321 : vector<16xi1>
    %select_n3A_323 = arith.select %or3A_322, %gather3A_311, %select_n3A_304 : vector<16xi1>, vector<16xf32>
    %select_n3A_324 = arith.select %or3A_322, %gather3A_317, %select_n3A_305 : vector<16xi1>, vector<16xi32>
    %xor3A_325 = arith.constant 1 : i32
    %xor3A_326 = vector.broadcast %xor3A_325 : i32 to vector<16xi32>
    %xor3A_327 = arith.xori %iota3A, %xor3A_326 : vector<16xi32>
    %broadcast_in_dim3A_328 = vector.shape_cast %xor3A_327 : vector<16xi32> to vector<16x1xi32>
    %gather3A_329 = vector.shape_cast %broadcast_in_dim3A_328 : vector<16x1xi32> to vector<16xi32>
    %gather3A_330 = tpu.dynamic_gather %select_n3A_323[%gather3A_329] in [0] : vector<16xf32>, vector<16xi32> -> vector<16xf32>
    %xor3A_331 = arith.constant 1 : i32
    %xor3A_332 = vector.broadcast %xor3A_331 : i32 to vector<16xi32>
    %xor3A_333 = arith.xori %iota3A, %xor3A_332 : vector<16xi32>
    %broadcast_in_dim3A_334 = vector.shape_cast %xor3A_333 : vector<16xi32> to vector<16x1xi32>
    %gather3A_335 = vector.shape_cast %broadcast_in_dim3A_334 : vector<16x1xi32> to vector<16xi32>
    %gather3A_336 = tpu.dynamic_gather %select_n3A_324[%gather3A_335] in [0] : vector<16xi32>, vector<16xi32> -> vector<16xi32>
    %gt3A_337 = arith.cmpf ogt, %gather3A_330, %select_n3A_323 : vector<16xf32>
    %eq3A_338 = arith.cmpf oeq, %gather3A_330, %select_n3A_323 : vector<16xf32>
    %lt3A_339 = arith.cmpi slt, %gather3A_336, %select_n3A_324 : vector<16xi32>
    %and3A_340 = arith.andi %eq3A_338, %lt3A_339 : vector<16xi1>
    %or3A_341 = arith.ori %gt3A_337, %and3A_340 : vector<16xi1>
    %select_n3A_342 = arith.select %or3A_341, %gather3A_330, %select_n3A_323 : vector<16xi1>, vector<16xf32>
    %select_n3A_343 = arith.select %or3A_341, %gather3A_336, %select_n3A_324 : vector<16xi1>, vector<16xi32>
    %slice3A_344 = vector.extract_strided_slice %select_n3A_343 {offsets = [0], sizes = [1], strides = [1]} : vector<16xi32> to vector<1xi32>
    %squeeze3A_345 = vector.extract %slice3A_344[0] : i32 from vector<1xi32>
    %dma_wait3A_346 = arith.constant 0 : i32
    %dma_wait3A_347 = tpu.memref_slice %arg2[%add3A_245, %dma_wait3A_346] : memref<128x32768xf32, #tpu.memory_space<hbm>> -> memref<1x32768xf32, #tpu.memory_space<hbm>>
    %dma_wait3A_348 = tpu.memref_squeeze %dma_wait3A_347 : memref<1x32768xf32, #tpu.memory_space<hbm>> -> memref<32768xf32, #tpu.memory_space<hbm>>
    %dma_wait3A_349 = arith.constant 0 : i32
    %dma_wait3A_350 = tpu.memref_slice %arg2[%add3A_245, %dma_wait3A_349] : memref<128x32768xf32, #tpu.memory_space<hbm>> -> memref<1x32768xf32, #tpu.memory_space<hbm>>
    %dma_wait3A_351 = tpu.memref_squeeze %dma_wait3A_350 : memref<1x32768xf32, #tpu.memory_space<hbm>> -> memref<32768xf32, #tpu.memory_space<hbm>>
    tpu.wait_dma2 semaphore(%arg10 : memref<!tpu.dma_semaphore, #tpu.memory_space<semaphore_mem>>) src(%dma_wait3A_351 : memref<32768xf32, #tpu.memory_space<hbm>>) dst(%arg5 : memref<32768xf32, #tpu.memory_space<vmem>>)
    %broadcast_in_dim3A_352 = arith.constant 0xFF800000 : f32
    %broadcast_in_dim3A_353 = vector.broadcast %broadcast_in_dim3A_352 : f32 to vector<16xf32>
    %broadcast_in_dim3A_354 = arith.constant 0 : i32
    %broadcast_in_dim3A_355 = vector.broadcast %broadcast_in_dim3A_354 : i32 to vector<16xi32>
    %scan3A_356 = arith.constant 0 : i32
    %scan3A_357 = arith.constant 256 : i32
    %scan3A_358 = arith.addi %scan3A_356, %scan3A_357 : i32
    %scan3A_359 = arith.constant 1 : i32
    %scan3A_360:2 = scf.for %scan3A_733 = %scan3A_356 to %scan3A_358 step %scan3A_359 iter_args(%scan3A_734 = %broadcast_in_dim3A_353, %scan3A_735 = %broadcast_in_dim3A_355) -> (vector<16xf32>, vector<16xi32>)  : i32 {
      %mul3A_736 = arith.constant 128 : i32
      %mul3A_737 = arith.muli %scan3A_733, %mul3A_736 : i32
      %add3A_738 = arith.constant 0 : i32
      %add3A_739 = arith.addi %mul3A_737, %add3A_738 : i32
      %get3A = arith.index_cast %add3A_739 : i32 to index
      %get3A_740 = tpu.vector_load %arg5[%get3A] {strides = array<i32>} : memref<32768xf32, #tpu.memory_space<vmem>>, vector<16xf32>,
      %add3A_741 = arith.constant 0 : i32
      %add3A_742 = arith.addi %mul3A_737, %add3A_741 : i32
      %add3A_743 = vector.broadcast %add3A_742 : i32 to vector<16xi32>
      %add3A_744 = arith.addi %add3A_743, %iota3A : vector<16xi32>
      %gt3A_745 = arith.cmpf ogt, %get3A_740, %scan3A_734 : vector<16xf32>
      %select_n3A_746 = arith.select %gt3A_745, %get3A_740, %scan3A_734 : vector<16xi1>, vector<16xf32>
      %select_n3A_747 = arith.select %gt3A_745, %add3A_744, %scan3A_735 : vector<16xi1>, vector<16xi32>
      %add3A_748 = arith.constant 16 : i32
      %add3A_749 = arith.addi %mul3A_737, %add3A_748 : i32
      %get3A_750 = arith.index_cast %add3A_749 : i32 to index
      %get3A_751 = tpu.vector_load %arg5[%get3A_750] {strides = array<i32>} : memref<32768xf32, #tpu.memory_space<vmem>>, vector<16xf32>,
      %add3A_752 = arith.constant 16 : i32
      %add3A_753 = arith.addi %mul3A_737, %add3A_752 : i32
      %add3A_754 = vector.broadcast %add3A_753 : i32 to vector<16xi32>
      %add3A_755 = arith.addi %add3A_754, %iota3A : vector<16xi32>
      %gt3A_756 = arith.cmpf ogt, %get3A_751, %select_n3A_746 : vector<16xf32>
      %select_n3A_757 = arith.select %gt3A_756, %get3A_751, %select_n3A_746 : vector<16xi1>, vector<16xf32>
      %select_n3A_758 = arith.select %gt3A_756, %add3A_755, %select_n3A_747 : vector<16xi1>, vector<16xi32>
      %add3A_759 = arith.constant 32 : i32
      %add3A_760 = arith.addi %mul3A_737, %add3A_759 : i32
      %get3A_761 = arith.index_cast %add3A_760 : i32 to index
      %get3A_762 = tpu.vector_load %arg5[%get3A_761] {strides = array<i32>} : memref<32768xf32, #tpu.memory_space<vmem>>, vector<16xf32>,
      %add3A_763 = arith.constant 32 : i32
      %add3A_764 = arith.addi %mul3A_737, %add3A_763 : i32
      %add3A_765 = vector.broadcast %add3A_764 : i32 to vector<16xi32>
      %add3A_766 = arith.addi %add3A_765, %iota3A : vector<16xi32>
      %gt3A_767 = arith.cmpf ogt, %get3A_762, %select_n3A_757 : vector<16xf32>
      %select_n3A_768 = arith.select %gt3A_767, %get3A_762, %select_n3A_757 : vector<16xi1>, vector<16xf32>
      %select_n3A_769 = arith.select %gt3A_767, %add3A_766, %select_n3A_758 : vector<16xi1>, vector<16xi32>
      %add3A_770 = arith.constant 48 : i32
      %add3A_771 = arith.addi %mul3A_737, %add3A_770 : i32
      %get3A_772 = arith.index_cast %add3A_771 : i32 to index
      %get3A_773 = tpu.vector_load %arg5[%get3A_772] {strides = array<i32>} : memref<32768xf32, #tpu.memory_space<vmem>>, vector<16xf32>,
      %add3A_774 = arith.constant 48 : i32
      %add3A_775 = arith.addi %mul3A_737, %add3A_774 : i32
      %add3A_776 = vector.broadcast %add3A_775 : i32 to vector<16xi32>
      %add3A_777 = arith.addi %add3A_776, %iota3A : vector<16xi32>
      %gt3A_778 = arith.cmpf ogt, %get3A_773, %select_n3A_768 : vector<16xf32>
      %select_n3A_779 = arith.select %gt3A_778, %get3A_773, %select_n3A_768 : vector<16xi1>, vector<16xf32>
      %select_n3A_780 = arith.select %gt3A_778, %add3A_777, %select_n3A_769 : vector<16xi1>, vector<16xi32>
      %add3A_781 = arith.constant 64 : i32
      %add3A_782 = arith.addi %mul3A_737, %add3A_781 : i32
      %get3A_783 = arith.index_cast %add3A_782 : i32 to index
      %get3A_784 = tpu.vector_load %arg5[%get3A_783] {strides = array<i32>} : memref<32768xf32, #tpu.memory_space<vmem>>, vector<16xf32>,
      %add3A_785 = arith.constant 64 : i32
      %add3A_786 = arith.addi %mul3A_737, %add3A_785 : i32
      %add3A_787 = vector.broadcast %add3A_786 : i32 to vector<16xi32>
      %add3A_788 = arith.addi %add3A_787, %iota3A : vector<16xi32>
      %gt3A_789 = arith.cmpf ogt, %get3A_784, %select_n3A_779 : vector<16xf32>
      %select_n3A_790 = arith.select %gt3A_789, %get3A_784, %select_n3A_779 : vector<16xi1>, vector<16xf32>
      %select_n3A_791 = arith.select %gt3A_789, %add3A_788, %select_n3A_780 : vector<16xi1>, vector<16xi32>
      %add3A_792 = arith.constant 80 : i32
      %add3A_793 = arith.addi %mul3A_737, %add3A_792 : i32
      %get3A_794 = arith.index_cast %add3A_793 : i32 to index
      %get3A_795 = tpu.vector_load %arg5[%get3A_794] {strides = array<i32>} : memref<32768xf32, #tpu.memory_space<vmem>>, vector<16xf32>,
      %add3A_796 = arith.constant 80 : i32
      %add3A_797 = arith.addi %mul3A_737, %add3A_796 : i32
      %add3A_798 = vector.broadcast %add3A_797 : i32 to vector<16xi32>
      %add3A_799 = arith.addi %add3A_798, %iota3A : vector<16xi32>
      %gt3A_800 = arith.cmpf ogt, %get3A_795, %select_n3A_790 : vector<16xf32>
      %select_n3A_801 = arith.select %gt3A_800, %get3A_795, %select_n3A_790 : vector<16xi1>, vector<16xf32>
      %select_n3A_802 = arith.select %gt3A_800, %add3A_799, %select_n3A_791 : vector<16xi1>, vector<16xi32>
      %add3A_803 = arith.constant 96 : i32
      %add3A_804 = arith.addi %mul3A_737, %add3A_803 : i32
      %get3A_805 = arith.index_cast %add3A_804 : i32 to index
      %get3A_806 = tpu.vector_load %arg5[%get3A_805] {strides = array<i32>} : memref<32768xf32, #tpu.memory_space<vmem>>, vector<16xf32>,
      %add3A_807 = arith.constant 96 : i32
      %add3A_808 = arith.addi %mul3A_737, %add3A_807 : i32
      %add3A_809 = vector.broadcast %add3A_808 : i32 to vector<16xi32>
      %add3A_810 = arith.addi %add3A_809, %iota3A : vector<16xi32>
      %gt3A_811 = arith.cmpf ogt, %get3A_806, %select_n3A_801 : vector<16xf32>
      %select_n3A_812 = arith.select %gt3A_811, %get3A_806, %select_n3A_801 : vector<16xi1>, vector<16xf32>
      %select_n3A_813 = arith.select %gt3A_811, %add3A_810, %select_n3A_802 : vector<16xi1>, vector<16xi32>
      %add3A_814 = arith.constant 112 : i32
      %add3A_815 = arith.addi %mul3A_737, %add3A_814 : i32
      %get3A_816 = arith.index_cast %add3A_815 : i32 to index
      %get3A_817 = tpu.vector_load %arg5[%get3A_816] {strides = array<i32>} : memref<32768xf32, #tpu.memory_space<vmem>>, vector<16xf32>,
      %add3A_818 = arith.constant 112 : i32
      %add3A_819 = arith.addi %mul3A_737, %add3A_818 : i32
      %add3A_820 = vector.broadcast %add3A_819 : i32 to vector<16xi32>
      %add3A_821 = arith.addi %add3A_820, %iota3A : vector<16xi32>
      %gt3A_822 = arith.cmpf ogt, %get3A_817, %select_n3A_812 : vector<16xf32>
      %select_n3A_823 = arith.select %gt3A_822, %get3A_817, %select_n3A_812 : vector<16xi1>, vector<16xf32>
      %select_n3A_824 = arith.select %gt3A_822, %add3A_821, %select_n3A_813 : vector<16xi1>, vector<16xi32>
      scf.yield %select_n3A_823, %select_n3A_824 : vector<16xf32>, vector<16xi32>
    }
    %scan3A_361 = arith.constant 256 : i32
    %xor3A_362 = arith.constant 8 : i32
    %xor3A_363 = vector.broadcast %xor3A_362 : i32 to vector<16xi32>
    %xor3A_364 = arith.xori %iota3A, %xor3A_363 : vector<16xi32>
    %broadcast_in_dim3A_365 = vector.shape_cast %xor3A_364 : vector<16xi32> to vector<16x1xi32>
    %gather3A_366 = vector.shape_cast %broadcast_in_dim3A_365 : vector<16x1xi32> to vector<16xi32>
    %gather3A_367 = tpu.dynamic_gather %scan3A_360#0[%gather3A_366] in [0] : vector<16xf32>, vector<16xi32> -> vector<16xf32>
    %xor3A_368 = arith.constant 8 : i32
    %xor3A_369 = vector.broadcast %xor3A_368 : i32 to vector<16xi32>
    %xor3A_370 = arith.xori %iota3A, %xor3A_369 : vector<16xi32>
    %broadcast_in_dim3A_371 = vector.shape_cast %xor3A_370 : vector<16xi32> to vector<16x1xi32>
    %gather3A_372 = vector.shape_cast %broadcast_in_dim3A_371 : vector<16x1xi32> to vector<16xi32>
    %gather3A_373 = tpu.dynamic_gather %scan3A_360#1[%gather3A_372] in [0] : vector<16xi32>, vector<16xi32> -> vector<16xi32>
    %gt3A_374 = arith.cmpf ogt, %gather3A_367, %scan3A_360#0 : vector<16xf32>
    %eq3A_375 = arith.cmpf oeq, %gather3A_367, %scan3A_360#0 : vector<16xf32>
    %lt3A_376 = arith.cmpi slt, %gather3A_373, %scan3A_360#1 : vector<16xi32>
    %and3A_377 = arith.andi %eq3A_375, %lt3A_376 : vector<16xi1>
    %or3A_378 = arith.ori %gt3A_374, %and3A_377 : vector<16xi1>
    %select_n3A_379 = arith.select %or3A_378, %gather3A_367, %scan3A_360#0 : vector<16xi1>, vector<16xf32>
    %select_n3A_380 = arith.select %or3A_378, %gather3A_373, %scan3A_360#1 : vector<16xi1>, vector<16xi32>
    %xor3A_381 = arith.constant 4 : i32
    %xor3A_382 = vector.broadcast %xor3A_381 : i32 to vector<16xi32>
    %xor3A_383 = arith.xori %iota3A, %xor3A_382 : vector<16xi32>
    %broadcast_in_dim3A_384 = vector.shape_cast %xor3A_383 : vector<16xi32> to vector<16x1xi32>
    %gather3A_385 = vector.shape_cast %broadcast_in_dim3A_384 : vector<16x1xi32> to vector<16xi32>
    %gather3A_386 = tpu.dynamic_gather %select_n3A_379[%gather3A_385] in [0] : vector<16xf32>, vector<16xi32> -> vector<16xf32>
    %xor3A_387 = arith.constant 4 : i32
    %xor3A_388 = vector.broadcast %xor3A_387 : i32 to vector<16xi32>
    %xor3A_389 = arith.xori %iota3A, %xor3A_388 : vector<16xi32>
    %broadcast_in_dim3A_390 = vector.shape_cast %xor3A_389 : vector<16xi32> to vector<16x1xi32>
    %gather3A_391 = vector.shape_cast %broadcast_in_dim3A_390 : vector<16x1xi32> to vector<16xi32>
    %gather3A_392 = tpu.dynamic_gather %select_n3A_380[%gather3A_391] in [0] : vector<16xi32>, vector<16xi32> -> vector<16xi32>
    %gt3A_393 = arith.cmpf ogt, %gather3A_386, %select_n3A_379 : vector<16xf32>
    %eq3A_394 = arith.cmpf oeq, %gather3A_386, %select_n3A_379 : vector<16xf32>
    %lt3A_395 = arith.cmpi slt, %gather3A_392, %select_n3A_380 : vector<16xi32>
    %and3A_396 = arith.andi %eq3A_394, %lt3A_395 : vector<16xi1>
    %or3A_397 = arith.ori %gt3A_393, %and3A_396 : vector<16xi1>
    %select_n3A_398 = arith.select %or3A_397, %gather3A_386, %select_n3A_379 : vector<16xi1>, vector<16xf32>
    %select_n3A_399 = arith.select %or3A_397, %gather3A_392, %select_n3A_380 : vector<16xi1>, vector<16xi32>
    %xor3A_400 = arith.constant 2 : i32
    %xor3A_401 = vector.broadcast %xor3A_400 : i32 to vector<16xi32>
    %xor3A_402 = arith.xori %iota3A, %xor3A_401 : vector<16xi32>
    %broadcast_in_dim3A_403 = vector.shape_cast %xor3A_402 : vector<16xi32> to vector<16x1xi32>
    %gather3A_404 = vector.shape_cast %broadcast_in_dim3A_403 : vector<16x1xi32> to vector<16xi32>
    %gather3A_405 = tpu.dynamic_gather %select_n3A_398[%gather3A_404] in [0] : vector<16xf32>, vector<16xi32> -> vector<16xf32>
    %xor3A_406 = arith.constant 2 : i32
    %xor3A_407 = vector.broadcast %xor3A_406 : i32 to vector<16xi32>
    %xor3A_408 = arith.xori %iota3A, %xor3A_407 : vector<16xi32>
    %broadcast_in_dim3A_409 = vector.shape_cast %xor3A_408 : vector<16xi32> to vector<16x1xi32>
    %gather3A_410 = vector.shape_cast %broadcast_in_dim3A_409 : vector<16x1xi32> to vector<16xi32>
    %gather3A_411 = tpu.dynamic_gather %select_n3A_399[%gather3A_410] in [0] : vector<16xi32>, vector<16xi32> -> vector<16xi32>
    %gt3A_412 = arith.cmpf ogt, %gather3A_405, %select_n3A_398 : vector<16xf32>
    %eq3A_413 = arith.cmpf oeq, %gather3A_405, %select_n3A_398 : vector<16xf32>
    %lt3A_414 = arith.cmpi slt, %gather3A_411, %select_n3A_399 : vector<16xi32>
    %and3A_415 = arith.andi %eq3A_413, %lt3A_414 : vector<16xi1>
    %or3A_416 = arith.ori %gt3A_412, %and3A_415 : vector<16xi1>
    %select_n3A_417 = arith.select %or3A_416, %gather3A_405, %select_n3A_398 : vector<16xi1>, vector<16xf32>
    %select_n3A_418 = arith.select %or3A_416, %gather3A_411, %select_n3A_399 : vector<16xi1>, vector<16xi32>
    %xor3A_419 = arith.constant 1 : i32
    %xor3A_420 = vector.broadcast %xor3A_419 : i32 to vector<16xi32>
    %xor3A_421 = arith.xori %iota3A, %xor3A_420 : vector<16xi32>
    %broadcast_in_dim3A_422 = vector.shape_cast %xor3A_421 : vector<16xi32> to vector<16x1xi32>
    %gather3A_423 = vector.shape_cast %broadcast_in_dim3A_422 : vector<16x1xi32> to vector<16xi32>
    %gather3A_424 = tpu.dynamic_gather %select_n3A_417[%gather3A_423] in [0] : vector<16xf32>, vector<16xi32> -> vector<16xf32>
    %xor3A_425 = arith.constant 1 : i32
    %xor3A_426 = vector.broadcast %xor3A_425 : i32 to vector<16xi32>
    %xor3A_427 = arith.xori %iota3A, %xor3A_426 : vector<16xi32>
    %broadcast_in_dim3A_428 = vector.shape_cast %xor3A_427 : vector<16xi32> to vector<16x1xi32>
    %gather3A_429 = vector.shape_cast %broadcast_in_dim3A_428 : vector<16x1xi32> to vector<16xi32>
    %gather3A_430 = tpu.dynamic_gather %select_n3A_418[%gather3A_429] in [0] : vector<16xi32>, vector<16xi32> -> vector<16xi32>
    %gt3A_431 = arith.cmpf ogt, %gather3A_424, %select_n3A_417 : vector<16xf32>
    %eq3A_432 = arith.cmpf oeq, %gather3A_424, %select_n3A_417 : vector<16xf32>
    %lt3A_433 = arith.cmpi slt, %gather3A_430, %select_n3A_418 : vector<16xi32>
    %and3A_434 = arith.andi %eq3A_432, %lt3A_433 : vector<16xi1>
    %or3A_435 = arith.ori %gt3A_431, %and3A_434 : vector<16xi1>
    %select_n3A_436 = arith.select %or3A_435, %gather3A_424, %select_n3A_417 : vector<16xi1>, vector<16xf32>
    %select_n3A_437 = arith.select %or3A_435, %gather3A_430, %select_n3A_418 : vector<16xi1>, vector<16xi32>
    %slice3A_438 = vector.extract_strided_slice %select_n3A_437 {offsets = [0], sizes = [1], strides = [1]} : vector<16xi32> to vector<1xi32>
    %squeeze3A_439 = vector.extract %slice3A_438[0] : i32 from vector<1xi32>
    %dma_wait3A_440 = arith.constant 0 : i32
    %dma_wait3A_441 = tpu.memref_slice %arg3[%add3A_24, %dma_wait3A_440] : memref<128x32768xf32, #tpu.memory_space<hbm>> -> memref<1x32768xf32, #tpu.memory_space<hbm>>
    %dma_wait3A_442 = tpu.memref_squeeze %dma_wait3A_441 : memref<1x32768xf32, #tpu.memory_space<hbm>> -> memref<32768xf32, #tpu.memory_space<hbm>>
    %dma_wait3A_443 = arith.constant 0 : i32
    %dma_wait3A_444 = tpu.memref_slice %arg3[%add3A_24, %dma_wait3A_443] : memref<128x32768xf32, #tpu.memory_space<hbm>> -> memref<1x32768xf32, #tpu.memory_space<hbm>>
    %dma_wait3A_445 = tpu.memref_squeeze %dma_wait3A_444 : memref<1x32768xf32, #tpu.memory_space<hbm>> -> memref<32768xf32, #tpu.memory_space<hbm>>
    tpu.wait_dma2 semaphore(%arg11 : memref<!tpu.dma_semaphore, #tpu.memory_space<semaphore_mem>>) src(%arg6 : memref<32768xf32, #tpu.memory_space<vmem>>) dst(%dma_wait3A_445 : memref<32768xf32, #tpu.memory_space<hbm>>)
    %dma_wait3A_446 = arith.constant 0 : i32
    %dma_wait3A_447 = tpu.memref_slice %arg3[%add3A_32, %dma_wait3A_446] : memref<128x32768xf32, #tpu.memory_space<hbm>> -> memref<1x32768xf32, #tpu.memory_space<hbm>>
    %dma_wait3A_448 = tpu.memref_squeeze %dma_wait3A_447 : memref<1x32768xf32, #tpu.memory_space<hbm>> -> memref<32768xf32, #tpu.memory_space<hbm>>
    %dma_wait3A_449 = arith.constant 0 : i32
    %dma_wait3A_450 = tpu.memref_slice %arg3[%add3A_32, %dma_wait3A_449] : memref<128x32768xf32, #tpu.memory_space<hbm>> -> memref<1x32768xf32, #tpu.memory_space<hbm>>
    %dma_wait3A_451 = tpu.memref_squeeze %dma_wait3A_450 : memref<1x32768xf32, #tpu.memory_space<hbm>> -> memref<32768xf32, #tpu.memory_space<hbm>>
    tpu.wait_dma2 semaphore(%arg11 : memref<!tpu.dma_semaphore, #tpu.memory_space<semaphore_mem>>) src(%arg6 : memref<32768xf32, #tpu.memory_space<vmem>>) dst(%dma_wait3A_451 : memref<32768xf32, #tpu.memory_space<hbm>>)
    %dma_wait3A_452 = arith.constant 0 : i32
    %dma_wait3A_453 = tpu.memref_slice %arg3[%add3A_40, %dma_wait3A_452] : memref<128x32768xf32, #tpu.memory_space<hbm>> -> memref<1x32768xf32, #tpu.memory_space<hbm>>
    %dma_wait3A_454 = tpu.memref_squeeze %dma_wait3A_453 : memref<1x32768xf32, #tpu.memory_space<hbm>> -> memref<32768xf32, #tpu.memory_space<hbm>>
    %dma_wait3A_455 = arith.constant 0 : i32
    %dma_wait3A_456 = tpu.memref_slice %arg3[%add3A_40, %dma_wait3A_455] : memref<128x32768xf32, #tpu.memory_space<hbm>> -> memref<1x32768xf32, #tpu.memory_space<hbm>>
    %dma_wait3A_457 = tpu.memref_squeeze %dma_wait3A_456 : memref<1x32768xf32, #tpu.memory_space<hbm>> -> memref<32768xf32, #tpu.memory_space<hbm>>
    tpu.wait_dma2 semaphore(%arg11 : memref<!tpu.dma_semaphore, #tpu.memory_space<semaphore_mem>>) src(%arg6 : memref<32768xf32, #tpu.memory_space<vmem>>) dst(%dma_wait3A_457 : memref<32768xf32, #tpu.memory_space<hbm>>)
    %dma_wait3A_458 = arith.constant 0 : i32
    %dma_wait3A_459 = tpu.memref_slice %arg3[%add3A_48, %dma_wait3A_458] : memref<128x32768xf32, #tpu.memory_space<hbm>> -> memref<1x32768xf32, #tpu.memory_space<hbm>>
    %dma_wait3A_460 = tpu.memref_squeeze %dma_wait3A_459 : memref<1x32768xf32, #tpu.memory_space<hbm>> -> memref<32768xf32, #tpu.memory_space<hbm>>
    %dma_wait3A_461 = arith.constant 0 : i32
    %dma_wait3A_462 = tpu.memref_slice %arg3[%add3A_48, %dma_wait3A_461] : memref<128x32768xf32, #tpu.memory_space<hbm>> -> memref<1x32768xf32, #tpu.memory_space<hbm>>
    %dma_wait3A_463 = tpu.memref_squeeze %dma_wait3A_462 : memref<1x32768xf32, #tpu.memory_space<hbm>> -> memref<32768xf32, #tpu.memory_space<hbm>>
    tpu.wait_dma2 semaphore(%arg11 : memref<!tpu.dma_semaphore, #tpu.memory_space<semaphore_mem>>) src(%arg6 : memref<32768xf32, #tpu.memory_space<vmem>>) dst(%dma_wait3A_463 : memref<32768xf32, #tpu.memory_space<hbm>>)
    %jit3A = arith.constant 16 : i32
    %eq3A_464 = arith.constant 0 : i32
    %eq3A_465 = arith.cmpi eq, %jit3A, %eq3A_464 : i32
    %jit3A_466 = arith.constant 1 : i32
    %select_n3A_467 = arith.select %eq3A_465, %jit3A_466, %jit3A : i32
    %rem3A = arith.remsi %squeeze3A, %select_n3A_467 : i32
    %ne3A = arith.constant 0 : i32
    %ne3A_468 = arith.cmpi ne, %rem3A, %ne3A : i32
    %lt3A_469 = arith.constant 0 : i32
    %lt3A_470 = arith.cmpi slt, %rem3A, %lt3A_469 : i32
    %lt3A_471 = arith.constant 0 : i32
    %lt3A_472 = arith.cmpi slt, %select_n3A_467, %lt3A_471 : i32
    %ne3A_473 = arith.xori %lt3A_470, %lt3A_472 : i1
    %and3A_474 = arith.andi %ne3A_473, %ne3A_468 : i1
    %add3A_475 = arith.addi %rem3A, %select_n3A_467 : i32
    %select_n3A_476 = arith.select %and3A_474, %add3A_475, %rem3A : i32
    %eq3A_477 = vector.broadcast %select_n3A_476 : i32 to vector<16xi32>
    %eq3A_478 = arith.cmpi eq, %iota3A, %eq3A_477 : vector<16xi32>
    %jit3A_479 = arith.constant 1.000000e+00 : f32
    %jit3A_480 = arith.constant 0.000000e+00 : f32
    %broadcast_in_dim3A_481 = vector.broadcast %jit3A_479 : f32 to vector<16xf32>
    %broadcast_in_dim3A_482 = vector.broadcast %jit3A_480 : f32 to vector<16xf32>
    %select_n3A_483 = arith.select %eq3A_478, %broadcast_in_dim3A_481, %broadcast_in_dim3A_482 : vector<16xi1>, vector<16xf32>
    %swap3A = arith.constant 0 : index
    %swap3A_484 = tpu.vector_load %arg7[%swap3A] {strides = array<i32>} : memref<64xf32, #tpu.memory_space<vmem>>, vector<16xf32>,
    tpu.vector_store %arg7[%swap3A], %select_n3A_483 {strides = array<i32>} : memref<64xf32, #tpu.memory_space<vmem>>, vector<16xf32>,
    %jit3A_485 = arith.constant 16 : i32
    %div3A = arith.divsi %squeeze3A, %jit3A_485 : i32
    %sign3A = arith.constant 0 : i32
    %sign3A_486 = arith.cmpi sgt, %squeeze3A, %sign3A : i32
    %sign3A_487 = arith.extui %sign3A_486 : i1 to i32
    %sign3A_488 = arith.constant 0 : i32
    %sign3A_489 = arith.cmpi slt, %squeeze3A, %sign3A_488 : i32
    %sign3A_490 = arith.extui %sign3A_489 : i1 to i32
    %sign3A_491 = arith.subi %sign3A_487, %sign3A_490 : i32
    %sign3A_492 = arith.constant 0 : i32
    %sign3A_493 = arith.cmpi sgt, %jit3A_485, %sign3A_492 : i32
    %sign3A_494 = arith.extui %sign3A_493 : i1 to i32
    %sign3A_495 = arith.constant 0 : i32
    %sign3A_496 = arith.cmpi slt, %jit3A_485, %sign3A_495 : i32
    %sign3A_497 = arith.extui %sign3A_496 : i1 to i32
    %sign3A_498 = arith.subi %sign3A_494, %sign3A_497 : i32
    %ne3A_499 = arith.cmpi ne, %sign3A_491, %sign3A_498 : i32
    %rem3A_500 = arith.remsi %squeeze3A, %jit3A_485 : i32
    %ne3A_501 = arith.constant 0 : i32
    %ne3A_502 = arith.cmpi ne, %rem3A_500, %ne3A_501 : i32
    %and3A_503 = arith.andi %ne3A_499, %ne3A_502 : i1
    %sub3A = arith.constant 1 : i32
    %sub3A_504 = arith.subi %div3A, %sub3A : i32
    %select_n3A_505 = arith.select %and3A_503, %sub3A_504, %div3A : i32
    %mul3A_506 = arith.constant 16 : i32
    %mul3A_507 = arith.muli %select_n3A_505, %mul3A_506 : i32
    %add3A_508 = arith.constant 0 : i32
    %add3A_509 = arith.addi %mul3A_3, %add3A_508 : i32
    %dma_start3A_510 = arith.constant 0 : i32
    %dma_start3A_511 = tpu.memref_slice %arg7[%dma_start3A_510] : memref<64xf32, #tpu.memory_space<vmem>> -> memref<16xf32, #tpu.memory_space<vmem>>
    %dma_start3A_512 = tpu.memref_slice %arg3[%add3A_509, %mul3A_507] : memref<128x32768xf32, #tpu.memory_space<hbm>> -> memref<1x16xf32, #tpu.memory_space<hbm>>
    %dma_start3A_513 = tpu.memref_squeeze %dma_start3A_512 : memref<1x16xf32, #tpu.memory_space<hbm>> -> memref<16xf32, #tpu.memory_space<hbm>>
    %dma_start3A_514 = tpu.memref_slice %arg3[%add3A_509, %mul3A_507] : memref<128x32768xf32, #tpu.memory_space<hbm>> -> memref<1x16xf32, #tpu.memory_space<hbm>>
    %dma_start3A_515 = tpu.memref_squeeze %dma_start3A_514 : memref<1x16xf32, #tpu.memory_space<hbm>> -> memref<16xf32, #tpu.memory_space<hbm>>
    %dma_start3A_516 = arith.constant 0 : i32
    %dma_start3A_517 = tpu.memref_slice %arg7[%dma_start3A_516] : memref<64xf32, #tpu.memory_space<vmem>> -> memref<16xf32, #tpu.memory_space<vmem>>
    tpu.enqueue_dma source(%dma_start3A_517 : memref<16xf32, #tpu.memory_space<vmem>>) target(%dma_start3A_515 : memref<16xf32, #tpu.memory_space<hbm>>) target_semaphore(%arg12 : memref<!tpu.dma_semaphore, #tpu.memory_space<semaphore_mem>>)
    %jit3A_518 = arith.constant 16 : i32
    %eq3A_519 = arith.constant 0 : i32
    %eq3A_520 = arith.cmpi eq, %jit3A_518, %eq3A_519 : i32
    %jit3A_521 = arith.constant 1 : i32
    %select_n3A_522 = arith.select %eq3A_520, %jit3A_521, %jit3A_518 : i32
    %rem3A_523 = arith.remsi %squeeze3A_241, %select_n3A_522 : i32
    %ne3A_524 = arith.constant 0 : i32
    %ne3A_525 = arith.cmpi ne, %rem3A_523, %ne3A_524 : i32
    %lt3A_526 = arith.constant 0 : i32
    %lt3A_527 = arith.cmpi slt, %rem3A_523, %lt3A_526 : i32
    %lt3A_528 = arith.constant 0 : i32
    %lt3A_529 = arith.cmpi slt, %select_n3A_522, %lt3A_528 : i32
    %ne3A_530 = arith.xori %lt3A_527, %lt3A_529 : i1
    %and3A_531 = arith.andi %ne3A_530, %ne3A_525 : i1
    %add3A_532 = arith.addi %rem3A_523, %select_n3A_522 : i32
    %select_n3A_533 = arith.select %and3A_531, %add3A_532, %rem3A_523 : i32
    %eq3A_534 = vector.broadcast %select_n3A_533 : i32 to vector<16xi32>
    %eq3A_535 = arith.cmpi eq, %iota3A, %eq3A_534 : vector<16xi32>
    %jit3A_536 = arith.constant 1.000000e+00 : f32
    %jit3A_537 = arith.constant 0.000000e+00 : f32
    %broadcast_in_dim3A_538 = vector.broadcast %jit3A_536 : f32 to vector<16xf32>
    %broadcast_in_dim3A_539 = vector.broadcast %jit3A_537 : f32 to vector<16xf32>
    %select_n3A_540 = arith.select %eq3A_535, %broadcast_in_dim3A_538, %broadcast_in_dim3A_539 : vector<16xi1>, vector<16xf32>
    %swap3A_541 = arith.constant 16 : index
    %swap3A_542 = tpu.vector_load %arg7[%swap3A_541] {strides = array<i32>} : memref<64xf32, #tpu.memory_space<vmem>>, vector<16xf32>,
    tpu.vector_store %arg7[%swap3A_541], %select_n3A_540 {strides = array<i32>} : memref<64xf32, #tpu.memory_space<vmem>>, vector<16xf32>,
    %jit3A_543 = arith.constant 16 : i32
    %div3A_544 = arith.divsi %squeeze3A_241, %jit3A_543 : i32
    %sign3A_545 = arith.constant 0 : i32
    %sign3A_546 = arith.cmpi sgt, %squeeze3A_241, %sign3A_545 : i32
    %sign3A_547 = arith.extui %sign3A_546 : i1 to i32
    %sign3A_548 = arith.constant 0 : i32
    %sign3A_549 = arith.cmpi slt, %squeeze3A_241, %sign3A_548 : i32
    %sign3A_550 = arith.extui %sign3A_549 : i1 to i32
    %sign3A_551 = arith.subi %sign3A_547, %sign3A_550 : i32
    %sign3A_552 = arith.constant 0 : i32
    %sign3A_553 = arith.cmpi sgt, %jit3A_543, %sign3A_552 : i32
    %sign3A_554 = arith.extui %sign3A_553 : i1 to i32
    %sign3A_555 = arith.constant 0 : i32
    %sign3A_556 = arith.cmpi slt, %jit3A_543, %sign3A_555 : i32
    %sign3A_557 = arith.extui %sign3A_556 : i1 to i32
    %sign3A_558 = arith.subi %sign3A_554, %sign3A_557 : i32
    %ne3A_559 = arith.cmpi ne, %sign3A_551, %sign3A_558 : i32
    %rem3A_560 = arith.remsi %squeeze3A_241, %jit3A_543 : i32
    %ne3A_561 = arith.constant 0 : i32
    %ne3A_562 = arith.cmpi ne, %rem3A_560, %ne3A_561 : i32
    %and3A_563 = arith.andi %ne3A_559, %ne3A_562 : i1
    %sub3A_564 = arith.constant 1 : i32
    %sub3A_565 = arith.subi %div3A_544, %sub3A_564 : i32
    %select_n3A_566 = arith.select %and3A_563, %sub3A_565, %div3A_544 : i32
    %mul3A_567 = arith.constant 16 : i32
    %mul3A_568 = arith.muli %select_n3A_566, %mul3A_567 : i32
    %add3A_569 = arith.constant 1 : i32
    %add3A_570 = arith.addi %mul3A_3, %add3A_569 : i32
    %dma_start3A_571 = arith.constant 16 : i32
    %dma_start3A_572 = tpu.memref_slice %arg7[%dma_start3A_571] : memref<64xf32, #tpu.memory_space<vmem>> -> memref<16xf32, #tpu.memory_space<vmem>>
    %dma_start3A_573 = tpu.memref_slice %arg3[%add3A_570, %mul3A_568] : memref<128x32768xf32, #tpu.memory_space<hbm>> -> memref<1x16xf32, #tpu.memory_space<hbm>>
    %dma_start3A_574 = tpu.memref_squeeze %dma_start3A_573 : memref<1x16xf32, #tpu.memory_space<hbm>> -> memref<16xf32, #tpu.memory_space<hbm>>
    %dma_start3A_575 = tpu.memref_slice %arg3[%add3A_570, %mul3A_568] : memref<128x32768xf32, #tpu.memory_space<hbm>> -> memref<1x16xf32, #tpu.memory_space<hbm>>
    %dma_start3A_576 = tpu.memref_squeeze %dma_start3A_575 : memref<1x16xf32, #tpu.memory_space<hbm>> -> memref<16xf32, #tpu.memory_space<hbm>>
    %dma_start3A_577 = arith.constant 16 : i32
    %dma_start3A_578 = tpu.memref_slice %arg7[%dma_start3A_577] : memref<64xf32, #tpu.memory_space<vmem>> -> memref<16xf32, #tpu.memory_space<vmem>>
    tpu.enqueue_dma source(%dma_start3A_578 : memref<16xf32, #tpu.memory_space<vmem>>) target(%dma_start3A_576 : memref<16xf32, #tpu.memory_space<hbm>>) target_semaphore(%arg12 : memref<!tpu.dma_semaphore, #tpu.memory_space<semaphore_mem>>)
    %jit3A_579 = arith.constant 16 : i32
    %eq3A_580 = arith.constant 0 : i32
    %eq3A_581 = arith.cmpi eq, %jit3A_579, %eq3A_580 : i32
    %jit3A_582 = arith.constant 1 : i32
    %select_n3A_583 = arith.select %eq3A_581, %jit3A_582, %jit3A_579 : i32
    %rem3A_584 = arith.remsi %squeeze3A_345, %select_n3A_583 : i32
    %ne3A_585 = arith.constant 0 : i32
    %ne3A_586 = arith.cmpi ne, %rem3A_584, %ne3A_585 : i32
    %lt3A_587 = arith.constant 0 : i32
    %lt3A_588 = arith.cmpi slt, %rem3A_584, %lt3A_587 : i32
    %lt3A_589 = arith.constant 0 : i32
    %lt3A_590 = arith.cmpi slt, %select_n3A_583, %lt3A_589 : i32
    %ne3A_591 = arith.xori %lt3A_588, %lt3A_590 : i1
    %and3A_592 = arith.andi %ne3A_591, %ne3A_586 : i1
    %add3A_593 = arith.addi %rem3A_584, %select_n3A_583 : i32
    %select_n3A_594 = arith.select %and3A_592, %add3A_593, %rem3A_584 : i32
    %eq3A_595 = vector.broadcast %select_n3A_594 : i32 to vector<16xi32>
    %eq3A_596 = arith.cmpi eq, %iota3A, %eq3A_595 : vector<16xi32>
    %jit3A_597 = arith.constant 1.000000e+00 : f32
    %jit3A_598 = arith.constant 0.000000e+00 : f32
    %broadcast_in_dim3A_599 = vector.broadcast %jit3A_597 : f32 to vector<16xf32>
    %broadcast_in_dim3A_600 = vector.broadcast %jit3A_598 : f32 to vector<16xf32>
    %select_n3A_601 = arith.select %eq3A_596, %broadcast_in_dim3A_599, %broadcast_in_dim3A_600 : vector<16xi1>, vector<16xf32>
    %swap3A_602 = arith.constant 32 : index
    %swap3A_603 = tpu.vector_load %arg7[%swap3A_602] {strides = array<i32>} : memref<64xf32, #tpu.memory_space<vmem>>, vector<16xf32>,
    tpu.vector_store %arg7[%swap3A_602], %select_n3A_601 {strides = array<i32>} : memref<64xf32, #tpu.memory_space<vmem>>, vector<16xf32>,
    %jit3A_604 = arith.constant 16 : i32
    %div3A_605 = arith.divsi %squeeze3A_345, %jit3A_604 : i32
    %sign3A_606 = arith.constant 0 : i32
    %sign3A_607 = arith.cmpi sgt, %squeeze3A_345, %sign3A_606 : i32
    %sign3A_608 = arith.extui %sign3A_607 : i1 to i32
    %sign3A_609 = arith.constant 0 : i32
    %sign3A_610 = arith.cmpi slt, %squeeze3A_345, %sign3A_609 : i32
    %sign3A_611 = arith.extui %sign3A_610 : i1 to i32
    %sign3A_612 = arith.subi %sign3A_608, %sign3A_611 : i32
    %sign3A_613 = arith.constant 0 : i32
    %sign3A_614 = arith.cmpi sgt, %jit3A_604, %sign3A_613 : i32
    %sign3A_615 = arith.extui %sign3A_614 : i1 to i32
    %sign3A_616 = arith.constant 0 : i32
    %sign3A_617 = arith.cmpi slt, %jit3A_604, %sign3A_616 : i32
    %sign3A_618 = arith.extui %sign3A_617 : i1 to i32
    %sign3A_619 = arith.subi %sign3A_615, %sign3A_618 : i32
    %ne3A_620 = arith.cmpi ne, %sign3A_612, %sign3A_619 : i32
    %rem3A_621 = arith.remsi %squeeze3A_345, %jit3A_604 : i32
    %ne3A_622 = arith.constant 0 : i32
    %ne3A_623 = arith.cmpi ne, %rem3A_621, %ne3A_622 : i32
    %and3A_624 = arith.andi %ne3A_620, %ne3A_623 : i1
    %sub3A_625 = arith.constant 1 : i32
    %sub3A_626 = arith.subi %div3A_605, %sub3A_625 : i32
    %select_n3A_627 = arith.select %and3A_624, %sub3A_626, %div3A_605 : i32
    %mul3A_628 = arith.constant 16 : i32
    %mul3A_629 = arith.muli %select_n3A_627, %mul3A_628 : i32
    %add3A_630 = arith.constant 2 : i32
    %add3A_631 = arith.addi %mul3A_3, %add3A_630 : i32
    %dma_start3A_632 = arith.constant 32 : i32
    %dma_start3A_633 = tpu.memref_slice %arg7[%dma_start3A_632] : memref<64xf32, #tpu.memory_space<vmem>> -> memref<16xf32, #tpu.memory_space<vmem>>
    %dma_start3A_634 = tpu.memref_slice %arg3[%add3A_631, %mul3A_629] : memref<128x32768xf32, #tpu.memory_space<hbm>> -> memref<1x16xf32, #tpu.memory_space<hbm>>
    %dma_start3A_635 = tpu.memref_squeeze %dma_start3A_634 : memref<1x16xf32, #tpu.memory_space<hbm>> -> memref<16xf32, #tpu.memory_space<hbm>>
    %dma_start3A_636 = tpu.memref_slice %arg3[%add3A_631, %mul3A_629] : memref<128x32768xf32, #tpu.memory_space<hbm>> -> memref<1x16xf32, #tpu.memory_space<hbm>>
    %dma_start3A_637 = tpu.memref_squeeze %dma_start3A_636 : memref<1x16xf32, #tpu.memory_space<hbm>> -> memref<16xf32, #tpu.memory_space<hbm>>
    %dma_start3A_638 = arith.constant 32 : i32
    %dma_start3A_639 = tpu.memref_slice %arg7[%dma_start3A_638] : memref<64xf32, #tpu.memory_space<vmem>> -> memref<16xf32, #tpu.memory_space<vmem>>
    tpu.enqueue_dma source(%dma_start3A_639 : memref<16xf32, #tpu.memory_space<vmem>>) target(%dma_start3A_637 : memref<16xf32, #tpu.memory_space<hbm>>) target_semaphore(%arg12 : memref<!tpu.dma_semaphore, #tpu.memory_space<semaphore_mem>>)
    %jit3A_640 = arith.constant 16 : i32
    %eq3A_641 = arith.constant 0 : i32
    %eq3A_642 = arith.cmpi eq, %jit3A_640, %eq3A_641 : i32
    %jit3A_643 = arith.constant 1 : i32
    %select_n3A_644 = arith.select %eq3A_642, %jit3A_643, %jit3A_640 : i32
    %rem3A_645 = arith.remsi %squeeze3A_439, %select_n3A_644 : i32
    %ne3A_646 = arith.constant 0 : i32
    %ne3A_647 = arith.cmpi ne, %rem3A_645, %ne3A_646 : i32
    %lt3A_648 = arith.constant 0 : i32
    %lt3A_649 = arith.cmpi slt, %rem3A_645, %lt3A_648 : i32
    %lt3A_650 = arith.constant 0 : i32
    %lt3A_651 = arith.cmpi slt, %select_n3A_644, %lt3A_650 : i32
    %ne3A_652 = arith.xori %lt3A_649, %lt3A_651 : i1
    %and3A_653 = arith.andi %ne3A_652, %ne3A_647 : i1
    %add3A_654 = arith.addi %rem3A_645, %select_n3A_644 : i32
    %select_n3A_655 = arith.select %and3A_653, %add3A_654, %rem3A_645 : i32
    %eq3A_656 = vector.broadcast %select_n3A_655 : i32 to vector<16xi32>
    %eq3A_657 = arith.cmpi eq, %iota3A, %eq3A_656 : vector<16xi32>
    %jit3A_658 = arith.constant 1.000000e+00 : f32
    %jit3A_659 = arith.constant 0.000000e+00 : f32
    %broadcast_in_dim3A_660 = vector.broadcast %jit3A_658 : f32 to vector<16xf32>
    %broadcast_in_dim3A_661 = vector.broadcast %jit3A_659 : f32 to vector<16xf32>
    %select_n3A_662 = arith.select %eq3A_657, %broadcast_in_dim3A_660, %broadcast_in_dim3A_661 : vector<16xi1>, vector<16xf32>
    %swap3A_663 = arith.constant 48 : index
    %swap3A_664 = tpu.vector_load %arg7[%swap3A_663] {strides = array<i32>} : memref<64xf32, #tpu.memory_space<vmem>>, vector<16xf32>,
    tpu.vector_store %arg7[%swap3A_663], %select_n3A_662 {strides = array<i32>} : memref<64xf32, #tpu.memory_space<vmem>>, vector<16xf32>,
    %jit3A_665 = arith.constant 16 : i32
    %div3A_666 = arith.divsi %squeeze3A_439, %jit3A_665 : i32
    %sign3A_667 = arith.constant 0 : i32
    %sign3A_668 = arith.cmpi sgt, %squeeze3A_439, %sign3A_667 : i32
    %sign3A_669 = arith.extui %sign3A_668 : i1 to i32
    %sign3A_670 = arith.constant 0 : i32
    %sign3A_671 = arith.cmpi slt, %squeeze3A_439, %sign3A_670 : i32
    %sign3A_672 = arith.extui %sign3A_671 : i1 to i32
    %sign3A_673 = arith.subi %sign3A_669, %sign3A_672 : i32
    %sign3A_674 = arith.constant 0 : i32
    %sign3A_675 = arith.cmpi sgt, %jit3A_665, %sign3A_674 : i32
    %sign3A_676 = arith.extui %sign3A_675 : i1 to i32
    %sign3A_677 = arith.constant 0 : i32
    %sign3A_678 = arith.cmpi slt, %jit3A_665, %sign3A_677 : i32
    %sign3A_679 = arith.extui %sign3A_678 : i1 to i32
    %sign3A_680 = arith.subi %sign3A_676, %sign3A_679 : i32
    %ne3A_681 = arith.cmpi ne, %sign3A_673, %sign3A_680 : i32
    %rem3A_682 = arith.remsi %squeeze3A_439, %jit3A_665 : i32
    %ne3A_683 = arith.constant 0 : i32
    %ne3A_684 = arith.cmpi ne, %rem3A_682, %ne3A_683 : i32
    %and3A_685 = arith.andi %ne3A_681, %ne3A_684 : i1
    %sub3A_686 = arith.constant 1 : i32
    %sub3A_687 = arith.subi %div3A_666, %sub3A_686 : i32
    %select_n3A_688 = arith.select %and3A_685, %sub3A_687, %div3A_666 : i32
    %mul3A_689 = arith.constant 16 : i32
    %mul3A_690 = arith.muli %select_n3A_688, %mul3A_689 : i32
    %add3A_691 = arith.constant 3 : i32
    %add3A_692 = arith.addi %mul3A_3, %add3A_691 : i32
    %dma_start3A_693 = arith.constant 48 : i32
    %dma_start3A_694 = tpu.memref_slice %arg7[%dma_start3A_693] : memref<64xf32, #tpu.memory_space<vmem>> -> memref<16xf32, #tpu.memory_space<vmem>>
    %dma_start3A_695 = tpu.memref_slice %arg3[%add3A_692, %mul3A_690] : memref<128x32768xf32, #tpu.memory_space<hbm>> -> memref<1x16xf32, #tpu.memory_space<hbm>>
    %dma_start3A_696 = tpu.memref_squeeze %dma_start3A_695 : memref<1x16xf32, #tpu.memory_space<hbm>> -> memref<16xf32, #tpu.memory_space<hbm>>
    %dma_start3A_697 = tpu.memref_slice %arg3[%add3A_692, %mul3A_690] : memref<128x32768xf32, #tpu.memory_space<hbm>> -> memref<1x16xf32, #tpu.memory_space<hbm>>
    %dma_start3A_698 = tpu.memref_squeeze %dma_start3A_697 : memref<1x16xf32, #tpu.memory_space<hbm>> -> memref<16xf32, #tpu.memory_space<hbm>>
    %dma_start3A_699 = arith.constant 48 : i32
    %dma_start3A_700 = tpu.memref_slice %arg7[%dma_start3A_699] : memref<64xf32, #tpu.memory_space<vmem>> -> memref<16xf32, #tpu.memory_space<vmem>>
    tpu.enqueue_dma source(%dma_start3A_700 : memref<16xf32, #tpu.memory_space<vmem>>) target(%dma_start3A_698 : memref<16xf32, #tpu.memory_space<hbm>>) target_semaphore(%arg12 : memref<!tpu.dma_semaphore, #tpu.memory_space<semaphore_mem>>)
    %dma_wait3A_701 = arith.constant 0 : i32
    %dma_wait3A_702 = tpu.memref_slice %arg7[%dma_wait3A_701] : memref<64xf32, #tpu.memory_space<vmem>> -> memref<16xf32, #tpu.memory_space<vmem>>
    %dma_wait3A_703 = tpu.memref_slice %arg3[%add3A_509, %mul3A_507] : memref<128x32768xf32, #tpu.memory_space<hbm>> -> memref<1x16xf32, #tpu.memory_space<hbm>>
    %dma_wait3A_704 = tpu.memref_squeeze %dma_wait3A_703 : memref<1x16xf32, #tpu.memory_space<hbm>> -> memref<16xf32, #tpu.memory_space<hbm>>
    %dma_wait3A_705 = tpu.memref_slice %arg3[%add3A_509, %mul3A_507] : memref<128x32768xf32, #tpu.memory_space<hbm>> -> memref<1x16xf32, #tpu.memory_space<hbm>>
    %dma_wait3A_706 = tpu.memref_squeeze %dma_wait3A_705 : memref<1x16xf32, #tpu.memory_space<hbm>> -> memref<16xf32, #tpu.memory_space<hbm>>
    %dma_wait3A_707 = arith.constant 0 : i32
    %dma_wait3A_708 = tpu.memref_slice %arg7[%dma_wait3A_707] : memref<64xf32, #tpu.memory_space<vmem>> -> memref<16xf32, #tpu.memory_space<vmem>>
    tpu.wait_dma2 semaphore(%arg12 : memref<!tpu.dma_semaphore, #tpu.memory_space<semaphore_mem>>) src(%dma_wait3A_708 : memref<16xf32, #tpu.memory_space<vmem>>) dst(%dma_wait3A_706 : memref<16xf32, #tpu.memory_space<hbm>>)
    %dma_wait3A_709 = arith.constant 16 : i32
    %dma_wait3A_710 = tpu.memref_slice %arg7[%dma_wait3A_709] : memref<64xf32, #tpu.memory_space<vmem>> -> memref<16xf32, #tpu.memory_space<vmem>>
    %dma_wait3A_711 = tpu.memref_slice %arg3[%add3A_570, %mul3A_568] : memref<128x32768xf32, #tpu.memory_space<hbm>> -> memref<1x16xf32, #tpu.memory_space<hbm>>
    %dma_wait3A_712 = tpu.memref_squeeze %dma_wait3A_711 : memref<1x16xf32, #tpu.memory_space<hbm>> -> memref<16xf32, #tpu.memory_space<hbm>>
    %dma_wait3A_713 = tpu.memref_slice %arg3[%add3A_570, %mul3A_568] : memref<128x32768xf32, #tpu.memory_space<hbm>> -> memref<1x16xf32, #tpu.memory_space<hbm>>
    %dma_wait3A_714 = tpu.memref_squeeze %dma_wait3A_713 : memref<1x16xf32, #tpu.memory_space<hbm>> -> memref<16xf32, #tpu.memory_space<hbm>>
    %dma_wait3A_715 = arith.constant 16 : i32
    %dma_wait3A_716 = tpu.memref_slice %arg7[%dma_wait3A_715] : memref<64xf32, #tpu.memory_space<vmem>> -> memref<16xf32, #tpu.memory_space<vmem>>
    tpu.wait_dma2 semaphore(%arg12 : memref<!tpu.dma_semaphore, #tpu.memory_space<semaphore_mem>>) src(%dma_wait3A_716 : memref<16xf32, #tpu.memory_space<vmem>>) dst(%dma_wait3A_714 : memref<16xf32, #tpu.memory_space<hbm>>)
    %dma_wait3A_717 = arith.constant 32 : i32
    %dma_wait3A_718 = tpu.memref_slice %arg7[%dma_wait3A_717] : memref<64xf32, #tpu.memory_space<vmem>> -> memref<16xf32, #tpu.memory_space<vmem>>
    %dma_wait3A_719 = tpu.memref_slice %arg3[%add3A_631, %mul3A_629] : memref<128x32768xf32, #tpu.memory_space<hbm>> -> memref<1x16xf32, #tpu.memory_space<hbm>>
    %dma_wait3A_720 = tpu.memref_squeeze %dma_wait3A_719 : memref<1x16xf32, #tpu.memory_space<hbm>> -> memref<16xf32, #tpu.memory_space<hbm>>
    %dma_wait3A_721 = tpu.memref_slice %arg3[%add3A_631, %mul3A_629] : memref<128x32768xf32, #tpu.memory_space<hbm>> -> memref<1x16xf32, #tpu.memory_space<hbm>>
    %dma_wait3A_722 = tpu.memref_squeeze %dma_wait3A_721 : memref<1x16xf32, #tpu.memory_space<hbm>> -> memref<16xf32, #tpu.memory_space<hbm>>
    %dma_wait3A_723 = arith.constant 32 : i32
    %dma_wait3A_724 = tpu.memref_slice %arg7[%dma_wait3A_723] : memref<64xf32, #tpu.memory_space<vmem>> -> memref<16xf32, #tpu.memory_space<vmem>>
    tpu.wait_dma2 semaphore(%arg12 : memref<!tpu.dma_semaphore, #tpu.memory_space<semaphore_mem>>) src(%dma_wait3A_724 : memref<16xf32, #tpu.memory_space<vmem>>) dst(%dma_wait3A_722 : memref<16xf32, #tpu.memory_space<hbm>>)
    %dma_wait3A_725 = arith.constant 48 : i32
    %dma_wait3A_726 = tpu.memref_slice %arg7[%dma_wait3A_725] : memref<64xf32, #tpu.memory_space<vmem>> -> memref<16xf32, #tpu.memory_space<vmem>>
    %dma_wait3A_727 = tpu.memref_slice %arg3[%add3A_692, %mul3A_690] : memref<128x32768xf32, #tpu.memory_space<hbm>> -> memref<1x16xf32, #tpu.memory_space<hbm>>
    %dma_wait3A_728 = tpu.memref_squeeze %dma_wait3A_727 : memref<1x16xf32, #tpu.memory_space<hbm>> -> memref<16xf32, #tpu.memory_space<hbm>>
    %dma_wait3A_729 = tpu.memref_slice %arg3[%add3A_692, %mul3A_690] : memref<128x32768xf32, #tpu.memory_space<hbm>> -> memref<1x16xf32, #tpu.memory_space<hbm>>
    %dma_wait3A_730 = tpu.memref_squeeze %dma_wait3A_729 : memref<1x16xf32, #tpu.memory_space<hbm>> -> memref<16xf32, #tpu.memory_space<hbm>>
    %dma_wait3A_731 = arith.constant 48 : i32
    %dma_wait3A_732 = tpu.memref_slice %arg7[%dma_wait3A_731] : memref<64xf32, #tpu.memory_space<vmem>> -> memref<16xf32, #tpu.memory_space<vmem>>
    tpu.wait_dma2 semaphore(%arg12 : memref<!tpu.dma_semaphore, #tpu.memory_space<semaphore_mem>>) src(%dma_wait3A_732 : memref<16xf32, #tpu.memory_space<vmem>>) dst(%dma_wait3A_730 : memref<16xf32, #tpu.memory_space<hbm>>)
    return
  }
}

</mosaic_0001>

<sc_bundles>
// kernel: kernel.3.cloned.1.call-start
scs
__scs_entry_jumppad:
0x0: {  	(pc) =	sbr.rel $0x88, $3  }
0x1: {  	(tag) =	ssettag $0x0;
	lr =	simm.s32 $0x1  }
0x2: {  	[smem:$0x3FA0] =	sst lr;
	_ =	strace $0xD0000000  }
0x3: {  	_ = 	snop  }
0x4: {  	_ = 	snop  }
0x5: {  	_ = 	snop  }
0x6: {  	_ = 	snop  }
0x7: {  	_ = 	snop  }
__scs_overlays_trampoline_lowered:
0x8: {  	[smem:$0x3FAF] =	sst s0  }
0x9: {  	[smem:$0x3FB0] =	sst s1  }
0xa: {  	[smem:$0x3FB1] =	sst s2  }
0xb: {  	[smem:$0x3FB2] =	sst s3  }
0xc: {  	[smem:$0x3FB3] =	sst s4  }
0xd: {  	[smem:$0x3FB4] =	sst s5  }
0xe: {  	[smem:$0x3FB5] =	sst s6  }
0xf: {  	[smem:$0x3FB6] =	sst s7  }
0x10: {  	[smem:$0x3FB7] =	sst s8  }
0x11: {  	[smem:$0x3FB8] =	sst s9;
	s0 =	simm.s32 @!p0 $0x0  }
0x12: {  	s1 =	sld [smem:$0x3F9E];
	s0 =	simm.s32 @p0 $0x1  }
0x13: {  	[smem:$0x3FB9] =	sst s0;
	s0 =	simm.s32 @!p1 $0x0  }
0x14: {  	s2 =	sld [smem:$0x3F9D];
	s0 =	simm.s32 @p1 $0x1  }
0x15: {  	[smem:$0x3FBA] =	sst s0;
	s0 =	simm.s32 @!p2 $0x0  }
0x16: {  	s3 =	sld [smem:$0x3FDB];
	s0 =	simm.s32 @p2 $0x1  }
0x17: {  	s4 =	simm.s32 $0x1BF5;
	[smem:$0x3FBC] =	sst s0  }
0x18: {  	s0 =	sld [smem:$0x3F9F];
	_ =	swait.ge [sflag:s4], $0x0  }
0x19: {  	s7 =	sld [smem:$0x3FA0]  }
0x1a: {  	s8 =	sadd.s32 $0xFFFFE003, lr  }
0x1b: {  	s9 =	sadd.s32 $0xFFFFFEF7, lr;
	s5 =	simm.s32 $0xFFFFFFFF;
	p2 =	slt.u32 s8, $0xFFFFF086  }
0x1c: {  	p1 =	slt.u32 s9, $0xF7A;
	s5 =	simm.s32 @!p2 $0x0  }
0x1d: {  	s5 =	simm.s32 @p1 $0x1;
	p0 =	seq.s32 s7, s2  }
0x1e: {  	s7 =	smul.u32 @!p0 $0xF7A, s2;
	p2 =	seq.s32 @!p0 s5, $0x0  }
0x1f: {  	s9 =	smul.u32 $0xF7A, s1;
	s8 =	simm.s32 @!p0 $0x1BF5;
	p2 =	por !p2, p0  }
0x20: {  	[sflag:s8] =	ssyncset.s32 @!p0 $0xFFFFF086;
	s6 =	sadd.s32 @!p0 s3, s7;
	s7 =	simm.s32 @!p0 $0x108  }
0x21: {  	s3 =	sadd.s32 s3, s9;
	s6 =	sadd.s32 @!p0 $0x88, s6;
	s7 =	simm.s32 @p2 $0x1082  }
0x22: {  	[simem:s7], [sflag:s8] =	dma.local @!p0 [hbm:s6], $0xF7A  }
0x23: {  	s9 =	sor.u32 $0xD0000000, s2;
	s6 =	simm.s32 $0x108;
	_ =	swait.ge @!p0 [sflag:s8], $0x0  }
0x24: {  	s3 =	sadd.s32 $0x88, s3;
	s6 =	simm.s32 @!p1 $0x1082;
	[sflag:s4] =	ssyncset.s32 $0xFFFFF086  }
0x25: {  	[simem:s6], [sflag:s4] =	dma.local [hbm:s3], $0xF7A  }
0x26: {  	[smem:$0x3FA0] =	sst s1;
	(tag) =	ssettag s2;
	_ =	strace s9  }
0x27: {  	s1 =	sld [smem:$0x3FB0]  }
0x28: {  	s2 =	sld [smem:$0x3FB1]  }
0x29: {  	s4 =	sld [smem:$0x3FB3]  }
0x2a: {  	p0 =	seq.s32 s5, $0x0;
	s5 =	sld [smem:$0x3FB4]  }
0x2b: {  	s6 =	sld [smem:$0x3FB5]  }
0x2c: {  	s7 =	sld [smem:$0x3FB6]  }
0x2d: {  	s3 =	simm.s32 $0x108;
	s8 =	sld [smem:$0x3FB7]  }
0x2e: {  	s3 =	simm.s32 @!p0 $0x1082;
	s9 =	sld [smem:$0x3FB8]  }
0x2f: {  	lr =	sadd.s32 s0, s3;
	s0 =	sld [smem:$0x3FAF]  }
0x30: {  	s3 =	sld [smem:$0x3FB2]  }
0x31: {  	[smem:$0x3FBB] =	sst s10  }
0x32: {  	s10 =	sld [smem:$0x3FB9];
	_ =	sdelay $0x3  }
0x33: {  	p0 =	seq.s32 s10, $0x1;
	s10 =	sld [smem:$0x3FBB];
	_ =	sdelay $0x3  }
0x34: {  	[smem:$0x3FBB] =	sst s10  }
0x35: {  	s10 =	sld [smem:$0x3FBA];
	_ =	sdelay $0x3  }
0x36: {  	p1 =	seq.s32 s10, $0x1;
	s10 =	sld [smem:$0x3FBB];
	_ =	sdelay $0x3  }
0x37: {  	[smem:$0x3FBB] =	sst s10  }
0x38: {  	s10 =	sld [smem:$0x3FBC]  }
0x39: {  	_ = 	snop;
	(pc) =	sbr.ind lr, $3  }
0x3a: {  	_ = 	snop  }
0x3b: {  	_ = 	snop  }
0x3c: {  	p2 =	seq.s32 s10, $0x1;
	s10 =	sld [smem:$0x3FBB]  }
0x3d: {  	_ =	shalt  }
0x3e: {  	_ =	shalt  }
0x3f: {  	_ =	shalt  }
0x40: {  	_ =	shalt  }
0x41: {  	_ =	shalt  }
0x42: {  	_ =	shalt  }
0x43: {  	_ =	shalt  }
0x44: {  	_ =	shalt  }
0x45: {  	_ =	shalt  }
0x46: {  	_ =	shalt  }
0x47: {  	_ =	shalt  }
0x48: {  	_ =	shalt  }
0x49: {  	_ =	shalt  }
0x4a: {  	_ =	shalt  }
0x4b: {  	_ =	shalt  }
0x4c: {  	_ =	shalt  }
0x4d: {  	_ =	shalt  }
0x4e: {  	_ =	shalt  }
0x4f: {  	_ =	shalt  }
0x50: {  	_ =	shalt  }
0x51: {  	_ =	shalt  }
0x52: {  	_ =	shalt  }
0x53: {  	_ =	shalt  }
0x54: {  	_ =	shalt  }
0x55: {  	_ =	shalt  }
0x56: {  	_ =	shalt  }
0x57: {  	_ =	shalt  }
0x58: {  	_ =	shalt  }
0x59: {  	_ =	shalt  }
0x5a: {  	_ =	shalt  }
0x5b: {  	_ =	shalt  }
0x5c: {  	_ =	shalt  }
0x5d: {  	_ =	shalt  }
0x5e: {  	_ =	shalt  }
0x5f: {  	_ =	shalt  }
0x60: {  	_ =	shalt  }
0x61: {  	_ =	shalt  }
0x62: {  	_ =	shalt  }
0x63: {  	_ =	shalt  }
0x64: {  	_ =	shalt  }
0x65: {  	_ =	shalt  }
0x66: {  	_ =	shalt  }
0x67: {  	_ =	shalt  }
0x68: {  	_ =	shalt  }
0x69: {  	_ =	shalt  }
0x6a: {  	_ =	shalt  }
0x6b: {  	_ =	shalt  }
0x6c: {  	_ =	shalt  }
0x6d: {  	_ =	shalt  }
0x6e: {  	_ =	shalt  }
0x6f: {  	_ =	shalt  }
0x70: {  	_ =	shalt  }
0x71: {  	_ =	shalt  }
0x72: {  	_ =	shalt  }
0x73: {  	_ =	shalt  }
0x74: {  	_ =	shalt  }
0x75: {  	_ =	shalt  }
0x76: {  	_ =	shalt  }
0x77: {  	_ =	shalt  }
0x78: {  	_ =	shalt  }
0x79: {  	_ =	shalt  }
0x7a: {  	_ =	shalt  }
0x7b: {  	_ =	shalt  }
0x7c: {  	_ =	shalt  }
0x7d: {  	_ =	shalt  }
0x7e: {  	_ =	shalt  }
0x7f: {  	_ =	shalt  }
0x80: {  	_ =	shalt  }
0x81: {  	_ =	shalt  }
0x82: {  	_ =	shalt  }
0x83: {  	_ =	shalt  }
0x84: {  	_ =	shalt  }
0x85: {  	_ =	shalt  }
0x86: {  	_ =	shalt  }
0x87: {  	_ =	shalt  }
.Lfunc_end0:
.L_simem_size_0:
called_computation_lowered:
.L_overlay_start_0:
0x88: {  	s2 =	sld [smem:$0x3FD9]  }
0x89: {  	s3 =	sld [smem:$0x3FFE];
	_ =	sdelay $0x1  }
0x8a: {  	s1 =	srdreg.scid  }
0x8b: {  	s0 =	sand.u32 $0x1, s1  }
0x8c: {  	s18 =	sshll.u32 s0, $0xA;
	s2 =	sadd.s32 s3, s2  }
0x8d: {  	s2 =	sadd.s32 s2, s18  }
0x8e: {  	[smem:$0x3FC7] =	sst s2  }
0x8f: {  	_ = 	snop  }
0x90: {  	s2 =	sld [smem:$0x3FC9]  }
0x91: {  	s19 =	sld [smem:$0x3FD0];
	(tm) =	ssettm $0x1  }
0x92: {  	s4 =	sld [smem:$0x3FFB];
	_ =	sdelay $0x3  }
0x93: {  	_ =	strace s4  }
0x94: {  	s4 =	sld [smem:$0x3FFC];
	_ =	sdelay $0x3  }
0x95: {  	_ =	strace s4  }
0x96: {  	s4 =	sld [smem:$0x3FFD];
	_ =	sdelay $0x3  }
0x97: {  	_ =	strace s4  }
0x98: {  	_ =	strace $0x8FFFFFFF  }
0x99: {  	s20 =	sld [smem:$0x3FDB];
	_ =	sdelay $0x1  }
0x9a: {  	s5 =	simm.s32 $_scs_section_size  }
0x9b: {  	s6 =	simm.s32 $_size__tile_overlayer_lowered;
	s7 =	simm.s32 $_tile_overlayer_lowered  }
0x9c: {  	s23 =	simm.s32 $0x1BFF;
	s22 =	sshll.u32 s7, $0x1;
	s4 =	sadd.s32 s5, s20  }
0x9d: {  	s8 =	simm.s32 $0x0;
	s21 =	sshll.u32 s6, $0x1;
	s6 =	sadd.s32 s22, s4  }
0x9e: {  	[timem:s8], [sflag:s23] =	dma.local [hbm:s6], s21  }
0x9f: {  	_ =	swait.ge [sflag:s23], s21  }
0xa0: {  	s5 =	ssub.s32 $0x0, s21;
	[sflag:s23] =	ssyncset.done $0x0  }
0xa1: {  	[sflag:s23] =	ssyncadd.s32 s5;
	_ =	sdelay $0x1  }
0xa2: {  	s24 =	simm.s32 $0x1B8B  }
0xa3: {  	_ =	swait.ge [sflag:s24], $0x1  }
0xa4: {  	[sflag:s24] =	ssyncset.done $0x0  }
0xa5: {  	s25 =	simm.s32 $0x1B8E;
	[sflag:s24] =	ssyncadd.s32 $0xFFFFFFFF  }
0xa6: {  	s26 =	simm.s32 $execute0_lowered;
	[smem:$0x3FD2] =	sst s25  }
0xa7: {  	s5 =	sshll.u32 s26, $0x1;
	_ =	strace $0x80000046;
	[dreg:$0x1] =	wrdreg $0xFFFFFFFF  }
0xa8: {  	s28 =	simm.s32 $_size_execute0_lowered;
	s4 =	sadd.s32 s4, s5;
	[dreg:$0x0] =	wrdreg $0x0  }
0xa9: {  	s5 =	sshll.u32 s28, $0x1;
	[dreg:$0x2] =	wrdreg s4  }
0xaa: {  	[dreg:$0x3] =	wrdreg s5  }
0xab: {  	[dreg:$0x4] =	wrdreg $0xC0  }
0xac: {  	_ =	task [dreg:s8], $0x5FFFF  }
0xad: {  	[dreg:$0x1] =	wrdreg $0xFFFFFFFF  }
0xae: {  	[dreg:$0x0] =	wrdreg $0x60  }
0xaf: {  	[dreg:$0x2] =	wrdreg s2  }
0xb0: {  	[dreg:$0x3] =	wrdreg s19  }
0xb1: {  	[dreg:$0x4] =	wrdreg $0x9  }
0xb2: {  	_ =	task.clear_ibuf [dreg:s8], $0x5FFFF;
	_ =	strace $0x90000046  }
0xb3: {  	s29 =	simm.s32 $0x9;
	_ =	strace $0x80000048  }
0xb4: {  	_ =	swait.ge [sflag:s29], $0x1  }
0xb5: {  	[sflag:s29] =	ssyncadd.s32 $0xFFFFFFFF  }
0xb6: {  	_ =	strace $0x90000048  }
0xb7: {  	_ =	sfence  }
0xb8: {  	s30 =	sld [smem:$0x0];
	_ =	sdelay $0x2  }
0xb9: {  	s31 =	sshll.u32 s1, $0xD;
	s1 =	sshrl.u32 s1, $0x2  }
0xba: {  	s3 =	sand.u32 $0x4000, s31;
	s1 =	sadd.s32 s1, s30  }
0xbb: {  	s0 =	sor.u32 s3, s0;
	s1 =	sshll.u32 s1, $0x11  }
0xbc: {  	s0 =	sor.u32 s1, s0  }
0xbd: {  	s0 =	sadd.s32 $0x8F2B, s0  }
0xbe: {  	[sflag:s0] =	ssyncadd.remote.s32 $0x1  }
0xbf: {  	_ =	sfence.sel $0xFFFF  }
0xc0: {  	[dreg:$0x0] =	wrdreg $0xFFFFFFFF;
	(pc) =	sbr.abs _section_cstart, $3  }
0xc1: {  	[dreg:$0x1] =	wrdreg $0xFFFFFFFF  }
0xc2: {  	_ =	task.clear_ibuf [dreg:s8], $0x2FFFF;
	_ =	strace $0x9FFFFFFF  }
0xc3: {  	(tm) =	ssettm $0x7FFFFFFF  }
tec
execute0_lowered:
.L_overlay_start_1:
0x0: {  	(tag) =	ssettag $0x1  }
0x1: {  	s0 =	rddreg [dreg:$0x0]  }
0x2: {  	s1 =	rddreg [dreg:$0x1];
	s3 =	simm.s32 $0x0  }
0x3: {  	s2 =	srdreg.scid;
	s4 =	stileid.u32;
	v0 =	vimm.s32 $0xFEDCBA98;
	s18 =	simm.s32 $0x80  }
0x4: {  	v1 =	vimm.s32 $0x76543210;
	s19 =	simm.s32 $0x400;
	s20 =	simm.s32 $0x8000;
	s21 =	simm.s32 $0x10000  }
0x5: {  	v2 =	vimm.s32 $0xBA98FEDC;
	v3 =	vimm.s32 $0x32107654;
	v4 =	vimm.s32 $0xDCFE98BA;
	s22 =	simm.s32 $0x1;
	s23 =	simm.s32 $0x2;
	s24 =	simm.s32 $0x3  }
0x6: {  	v5 =	vimm.s32 $0x54761032;
	v6 =	vimm.s32 $0xEFCDAB89;
	v7 =	vimm.s32 $0x67452301;
	s30 =	simm.s32 $0x4;
	s31 =	simm.s32 $0x0;
	s2 =	sand.u32 $0x1, s2  }
0x7: {  	[smem:$0x7FF] =	sst s3;
	s4 =	sshll.u32 s4, $0x12;
	v0 =	vunpack.c.l.s4.s8 v0;
	v1 =	vunpack.c.l.s4.s8 v1;
	v2 =	vunpack.c.l.s4.s8 v2;
	s5 =	sshll.u32 s2, $0x9  }
0x8: {  	v3 =	vunpack.c.l.s4.s8 v3;
	v4 =	vunpack.c.l.s4.s8 v4;
	v5 =	vunpack.c.l.s4.s8 v5;
	_ =	strace $0x80000047;
	s2 =	ssub.s32 $0x2, s2;
	s7 =	sor.u32 s5, s4  }
0x9: {  	v6 =	vunpack.c.l.s4.s8 v6;
	v7 =	vunpack.c.l.s4.s8 v7;
	s6 =	sor.u32 $0x80, s5;
	s8 =	sshrl.u32 s2, $0x1;
	v0 =	vunpack.c.0.s8.s32 v0;
	s10 =	sor.u32 $0x180, s5  }
0xa: {  	v2 =	vunpack.c.0.s8.s32 v2;
	v3 =	vunpack.c.0.s8.s32 v3;
	v4 =	vunpack.c.0.s8.s32 v4;
	s11 =	sshrl.u32 s7, $0x3;
	s9 =	sor.u32 s4, s6;
	s2 =	ssub.s32 s2, s8  }
0xb: {  	v5 =	vunpack.c.0.s8.s32 v5;
	v6 =	vunpack.c.0.s8.s32 v6;
	v7 =	vunpack.c.0.s8.s32 v7;
	s14 =	sor.u32 s4, s10;
	s7 =	sadd.s32 s0, s11;
	s12 =	sshrl.u32 s9, $0x3  }
0xc: {  	s9 =	sor.u32 $0x100, s5;
	s11 =	sadd.s32 s1, s11;
	s16 =	sshrl.u32 s14, $0x3;
	v3 =	vcombine.low v3, v2;
	v2 =	vunpack.c.0.s8.s32 v1  }
0xd: {  	s17 =	smax.u32 s2, $0x1;
	v8 =	vand.u32 $0xF, v0;
	v4 =	vcombine.low v5, v4;
	v5 =	vcombine.low v7, v6;
	s8 =	sadd.s32 s0, s12;
	s13 =	sor.u32 s4, s9  }
0xe: {  	v0 =	vimm.f32 $0.0e+00;
	v1 =	vlaneseq.u32;
	s12 =	sadd.s32 s1, s12;
	s14 =	sadd.s32 s1, s16;
	s15 =	sshrl.u32 s13, $0x3;
	v2 =	vcombine.low v8, v2  }
0xf: {  	s16 =	sadd.s32 s0, s16;
	v3 =	vand.u32 $0xF, v3;
	v4 =	vand.u32 $0xF, v4;
	v5 =	vand.u32 $0xF, v5;
	s13 =	sadd.s32 s1, s15;
	s15 =	sadd.s32 s0, s15  }
.LBB2_1:
0x10: {  	[tilespmem:s3], [sflag:$0x1] =	stream.strided.gather [hbm4b:s7+s18], $0x8000, s19, s18, $0x38;
	[tilespmem:$0x18080] =	vst v63  }
0x11: {  	s0 =	simm.s32 $0x0;
	s2 =	simm.s32 $0x200  }
0x12: {  	[tilespmem:s20], [sflag:$0x2] =	stream.strided.gather [hbm4b:s8+s18], $0x8000, s19, s18, $0x38;
	[tilespmem:$0x18080] =	vst v63  }
.LBB2_2:
0x13: {  	p0 =	sne.s32 s2, $0x1FE00;
	[tilespmem:s0+$0x10070] =	vst v0  }
0x14: {  	[tilespmem:s0+$0x10000] =	vst v0  }
0x15: {  	[tilespmem:s0+$0x10010] =	vst v0  }
.Ltmp0:
0x16: {  	[tilespmem:s0+$0x10020] =	vst v0;
	(pc) =	sbr.rel @p0 .LBB2_2-.Ltmp0, $4  }
0x17: {  	[tilespmem:s0+$0x10030] =	vst v0  }
0x18: {  	[tilespmem:s0+$0x10040] =	vst v0  }
0x19: {  	[tilespmem:s0+$0x10050] =	vst v0  }
0x1a: {  	[tilespmem:s0+$0x10060] =	vst v0;
	s0 =	sshra.s32 s2, $0x2;
	s2 =	sadd.s32 $0x200, s2  }
0x1b: {  	[tilespmem:s0+$0x10070] =	vst v0  }
0x1c: {  	[tilespmem:s0+$0x10000] =	vst v0  }
0x1d: {  	[tilespmem:s0+$0x10010] =	vst v0  }
0x1e: {  	[tilespmem:s0+$0x10020] =	vst v0  }
0x1f: {  	[tilespmem:s0+$0x10030] =	vst v0  }
0x20: {  	[tilespmem:s0+$0x10040] =	vst v0  }
0x21: {  	[tilespmem:s0+$0x10050] =	vst v0  }
0x22: {  	[tilespmem:s0+$0x10060] =	vst v0  }
0x23: {  	[hbm4b:s11+s18] =	stream.strided.scatter [tilespmem:s21], [sflag:$0x3], $0x8000, s19, s18, $0x38;
	[tilespmem:$0x18080] =	vst v63  }
0x24: {  	_ = 	snop  }
0x25: {  	[hbm4b:s12+s18] =	stream.strided.scatter [tilespmem:s21], [sflag:$0x3], $0x8000, s19, s18, $0x38;
	[tilespmem:$0x18080] =	vst v63  }
0x26: {  	_ = 	snop  }
0x27: {  	[hbm4b:s13+s18] =	stream.strided.scatter [tilespmem:s21], [sflag:$0x3], $0x8000, s19, s18, $0x38;
	[tilespmem:$0x18080] =	vst v63  }
0x28: {  	_ = 	snop  }
0x29: {  	[hbm4b:s14+s18] =	stream.strided.scatter [tilespmem:s21], [sflag:$0x3], $0x8000, s19, s18, $0x38;
	[tilespmem:$0x18080] =	vst v63  }
0x2a: {  	_ =	swait.ge [sflag:s22], $0x8000  }
0x2b: {  	[sflag:s22] =	ssyncset.done $0x0  }
0x2c: {  	s0 =	simm.s32 $0x40;
	[sflag:s22] =	ssyncadd.s32 $0xFFFF8000  }
0x2d: {  	v6 =	vld [tilespmem:s0+$0xFFFFFFC0];
	_ =	sdelay $0x1  }
0x2e: {  	v7 =	vld [tilespmem:s0+$0xFFFFFFD0];
	_ =	sdelay $0x1  }
0x2f: {  	v8 =	vimm.f32 $-Inf;
	v9 =	vld [tilespmem:s0+$0xFFFFFFE0]  }
0x30: {  	vm0 =	vgt.f32 v6, v8  }
0x31: {  	v6 =	vsel vm0, v6, v8;
	v8 =	vld [tilespmem:s0+$0xFFFFFFF0]  }
0x32: {  	vm1 =	vgt.f32 v7, v6  }
0x33: {  	s2 =	simm.s32 $0x0;
	v6 =	vsel vm1, v7, v6  }
0x34: {  	v10 =	vimm.s32 $0x0;
	s26 =	simm.s32 $0x10;
	v11 =	vor.u32 s2, v1;
	v7 =	vld [tilespmem:s0+$0x0];
	vm2 =	vgt.f32 v9, v6  }
0x35: {  	s29 =	simm.s32 $0x20;
	v10 =	vsel vm0, v11, v10;
	v11 =	vor.u32 s26, v1;
	v6 =	vsel vm2, v9, v6  }
0x36: {  	s25 =	simm.s32 $0x30;
	v10 =	vsel vm1, v11, v10;
	v11 =	vor.u32 s29, v1;
	v9 =	vld [tilespmem:s0+$0x10];
	vm13 =	vgt.f32 v8, v6  }
0x37: {  	v8 =	vsel vm13, v8, v6;
	v6 =	vsel vm2, v11, v10;
	v10 =	vor.u32 s25, v1  }
0x38: {  	v10 =	vsel vm13, v10, v6;
	v6 =	vld [tilespmem:s0+$0x20]  }
0x39: {  	s26 =	simm.s32 $0x40;
	vm14 =	vgt.f32 v7, v8  }
0x3a: {  	s29 =	simm.s32 $0x50;
	v11 =	vor.u32 s26, v1;
	v12 =	vsel vm14, v7, v8;
	v7 =	vld [tilespmem:s0+$0x30]  }
0x3b: {  	s28 =	simm.s32 $0x60;
	s2 =	simm.s32 $0xC0;
	v13 =	vor.u32 s29, v1;
	v11 =	vsel vm14, v11, v10;
	vm15 =	vgt.f32 v9, v12  }
0x3c: {  	s25 =	simm.s32 $0x70;
	s26 =	simm.s32 $0x170;
	s0 =	simm.s32 $0xF0;
	v8 =	vld [tilespmem:s2+$0xFFFFFFC0];
	v10 =	vsel vm15, v9, v12;
	v9 =	vsel vm15, v13, v11  }
.LBB2_4:
0x3d: {  	p0 =	sne.s32 s26, $0x7FF0;
	v11 =	vor.u32 s28, v1;
	vm0 =	vgt.f32 v6, v10  }
0x3e: {  	v12 =	vld [tilespmem:s2+$0xFFFFFFD0];
	v6 =	vsel vm0, v6, v10;
	v9 =	vsel vm0, v11, v9  }
0x3f: {  	v10 =	vor.u32 s25, v1;
	s25 =	smov.u32 s0;
	s0 =	smov.u32 s26;
	vm0 =	vgt.f32 v7, v6  }
0x40: {  	s28 =	sadd.s32 $0xFFFFFF90, s25;
	v11 =	vld [tilespmem:s2+$0xFFFFFFE0];
	v6 =	vsel vm0, v7, v6;
	v7 =	vsel vm0, v10, v9  }
0x41: {  	v9 =	vor.u32 s28, v1;
	vm0 =	vgt.f32 v8, v6  }
0x42: {  	s28 =	sadd.s32 $0xFFFFFFA0, s25;
	v6 =	vsel vm0, v8, v6;
	v7 =	vsel vm0, v9, v7;
	v8 =	vld [tilespmem:s2+$0xFFFFFFF0]  }
0x43: {  	v9 =	vor.u32 s28, v1;
	vm0 =	vgt.f32 v12, v6  }
0x44: {  	s28 =	sadd.s32 $0xFFFFFFB0, s25;
	v6 =	vsel vm0, v12, v6;
	v7 =	vsel vm0, v9, v7;
	v9 =	vld [tilespmem:s2+$0x0]  }
0x45: {  	v10 =	vor.u32 s28, v1;
	vm0 =	vgt.f32 v11, v6  }
0x46: {  	s28 =	sadd.s32 $0xFFFFFFC0, s25;
	v6 =	vsel vm0, v11, v6;
	v7 =	vsel vm0, v10, v7;
	v10 =	vld [tilespmem:s2+$0x10]  }
0x47: {  	v11 =	vor.u32 s28, v1;
	vm0 =	vgt.f32 v8, v6  }
.Ltmp1:
0x48: {  	s28 =	sadd.s32 $0xFFFFFFD0, s25;
	v8 =	vsel vm0, v8, v6;
	v7 =	vsel vm0, v11, v7;
	v6 =	vld [tilespmem:s2+$0x20];
	(pc) =	sbr.rel @p0 .LBB2_4-.Ltmp1, $4  }
0x49: {  	v11 =	vor.u32 s28, v1;
	vm0 =	vgt.f32 v9, v8  }
0x4a: {  	s28 =	sadd.s32 $0xFFFFFFE0, s25;
	v9 =	vsel vm0, v9, v8;
	v11 =	vsel vm0, v11, v7;
	v7 =	vld [tilespmem:s2+$0x30]  }
0x4b: {  	v12 =	vor.u32 s28, v1;
	s2 =	sadd.s32 $0x80, s2;
	vm0 =	vgt.f32 v10, v9  }
0x4c: {  	s26 =	sadd.s32 $0x80, s26;
	s28 =	sadd.s32 $0xFFFFFFF0, s25;
	v8 =	vld [tilespmem:s2+$0xFFFFFFC0];
	v10 =	vsel vm0, v10, v9;
	v9 =	vsel vm0, v12, v11  }
0x4d: {  	vm0 =	vgt.f32 v6, v10  }
0x4e: {  	v11 =	vld [tilespmem:s2+$0xFFFFFFD0];
	v6 =	vsel vm0, v6, v10  }
0x4f: {  	vm1 =	vgt.f32 v7, v6  }
0x50: {  	v10 =	vld [tilespmem:s2+$0xFFFFFFE0];
	v6 =	vsel vm1, v7, v6  }
0x51: {  	vm2 =	vgt.f32 v8, v6  }
0x52: {  	v7 =	vld [tilespmem:s2+$0xFFFFFFF0];
	v6 =	vsel vm2, v8, v6  }
0x53: {  	vm3 =	vgt.f32 v11, v6  }
0x54: {  	v8 =	vld [tilespmem:s2+$0x0];
	v6 =	vsel vm3, v11, v6  }
0x55: {  	vm4 =	vgt.f32 v10, v6  }
0x56: {  	v11 =	vor.u32 s28, v1;
	v6 =	vsel vm4, v10, v6;
	v10 =	vld [tilespmem:s2+$0x10]  }
0x57: {  	s26 =	sadd.s32 $0xFFFFFF90, s0;
	v9 =	vsel vm0, v11, v9;
	v11 =	vor.u32 s25, v1;
	vm8 =	vgt.f32 v7, v6  }
0x58: {  	s29 =	sadd.s32 $0xFFFFFFA0, s0;
	v9 =	vsel vm1, v11, v9;
	v11 =	vor.u32 s26, v1;
	v6 =	vsel vm8, v7, v6;
	v7 =	vld [tilespmem:s2+$0x20]  }
0x59: {  	s26 =	sadd.s32 $0xFFFFFFB0, s0;
	v9 =	vsel vm2, v11, v9;
	v11 =	vor.u32 s29, v1;
	vm9 =	vgt.f32 v8, v6  }
0x5a: {  	s29 =	sadd.s32 $0xFFFFFFC0, s0;
	v9 =	vsel vm3, v11, v9;
	v11 =	vor.u32 s26, v1;
	v6 =	vsel vm9, v8, v6;
	v8 =	vld [tilespmem:s2+$0x30]  }
0x5b: {  	s25 =	sadd.s32 $0xFFFFFFD0, s0;
	v9 =	vsel vm4, v11, v9;
	v11 =	vor.u32 s29, v1;
	vm10 =	vgt.f32 v10, v6  }
0x5c: {  	s26 =	sadd.s32 $0xFFFFFFE0, s0;
	v9 =	vsel vm8, v11, v9;
	v11 =	vor.u32 s25, v1;
	v6 =	vsel vm10, v10, v6  }
0x5d: {  	s29 =	sadd.s32 $0xFFFFFFF0, s0;
	v9 =	vsel vm9, v11, v9;
	v10 =	vor.u32 s26, v1;
	vm11 =	vgt.f32 v7, v6  }
0x5e: {  	v9 =	vsel vm10, v10, v9;
	v10 =	vor.u32 s29, v1;
	v6 =	vsel vm11, v7, v6  }
0x5f: {  	v7 =	vsel vm11, v10, v9;
	v9 =	vor.u32 s0, v1;
	vm12 =	vgt.f32 v8, v6  }
0x60: {  	v6 =	vsel vm12, v8, v6;
	v7 =	vsel vm12, v9, v7  }
0x61: {  	v8 =	vperm.xlane v6, v2;
	v9 =	vperm.xlane v7, v2;
	_ =	sdelay $0x1  }
0x62: {  	vm13 =	veq.f32 v8, v6;
	vm14 =	vlt.s32 v9, v7  }
0x63: {  	vm15 =	vgt.f32 v8, v6;
	vm0 =	vmand vm13, vm14  }
0x64: {  	vm0 =	vmor vm15, vm0  }
0x65: {  	[tilespmem:s3], [sflag:$0x1] =	stream.strided.gather [hbm4b:s15+s18], $0x8000, s19, s18, $0x38;
	v6 =	vsel vm0, v8, v6;
	v7 =	vsel vm0, v9, v7;
	[tilespmem:$0x18080] =	vst v63  }
0x66: {  	_ =	swait.ge [sflag:s23], $0x8000;
	v8 =	vperm.xlane v6, v3;
	v9 =	vperm.xlane v7, v3  }
0x67: {  	[sflag:s23] =	ssyncset.done $0x0  }
0x68: {  	[sflag:s23] =	ssyncadd.s32 $0xFFFF8000;
	s0 =	simm.s32 $0x8040;
	vm4 =	veq.f32 v8, v6;
	vm5 =	vlt.s32 v9, v7  }
0x69: {  	v10 =	vld [tilespmem:s0+$0xFFFFFFC0];
	vm6 =	vgt.f32 v8, v6;
	vm0 =	vmand vm4, vm5  }
0x6a: {  	vm0 =	vmor vm6, vm0  }
0x6b: {  	v6 =	vsel vm0, v8, v6;
	v8 =	vsel vm0, v9, v7;
	v9 =	vld [tilespmem:s0+$0xFFFFFFD0]  }
0x6c: {  	v7 =	vperm.xlane v6, v4;
	v11 =	vperm.xlane v8, v4  }
0x6d: {  	v12 =	vimm.f32 $-Inf  }
0x6e: {  	v13 =	vld [tilespmem:s0+$0xFFFFFFE0];
	vm9 =	vgt.f32 v10, v12;
	vm7 =	veq.f32 v7, v6;
	vm8 =	vlt.s32 v11, v8  }
0x6f: {  	v10 =	vsel vm9, v10, v12;
	vm10 =	vgt.f32 v7, v6;
	vm0 =	vmand vm7, vm8  }
0x70: {  	v12 =	vld [tilespmem:s0+$0xFFFFFFF0];
	vm0 =	vmor vm10, vm0;
	vm11 =	vgt.f32 v9, v10  }
0x71: {  	s25 =	simm.s32 $0x0;
	v7 =	vsel vm0, v7, v6;
	v9 =	vsel vm11, v9, v10  }
0x72: {  	s26 =	simm.s32 $0x10;
	v14 =	vld [tilespmem:s0+$0x0];
	v6 =	vsel vm0, v11, v8;
	v10 =	vimm.s32 $0x0;
	v11 =	vor.u32 s25, v1  }
0x73: {  	s29 =	simm.s32 $0x20;
	vm12 =	vgt.f32 v13, v9;
	v10 =	vsel vm9, v11, v10;
	v11 =	vor.u32 s26, v1  }
0x74: {  	s25 =	simm.s32 $0x30;
	v9 =	vsel vm12, v13, v9;
	v13 =	vld [tilespmem:s0+$0x10];
	v10 =	vsel vm11, v11, v10;
	v11 =	vor.u32 s29, v1  }
0x75: {  	vm13 =	vgt.f32 v12, v9;
	v10 =	vsel vm12, v11, v10;
	v11 =	vor.u32 s25, v1  }
0x76: {  	s26 =	simm.s32 $0x40;
	v9 =	vsel vm13, v12, v9;
	v11 =	vsel vm13, v11, v10;
	v10 =	vld [tilespmem:s0+$0x20]  }
0x77: {  	v12 =	vor.u32 s26, v1;
	vm14 =	vgt.f32 v14, v9  }
0x78: {  	s29 =	simm.s32 $0x50;
	v14 =	vsel vm14, v14, v9;
	v15 =	vsel vm14, v12, v11;
	v11 =	vld [tilespmem:s0+$0x30]  }
0x79: {  	s28 =	simm.s32 $0x60;
	s2 =	simm.s32 $0x80C0;
	v8 =	vperm.xlane v7, v5;
	v16 =	vor.u32 s29, v1;
	vm15 =	vgt.f32 v13, v14  }
0x7a: {  	s25 =	simm.s32 $0x70;
	s26 =	simm.s32 $0x170;
	v9 =	vperm.xlane v6, v5;
	s0 =	simm.s32 $0xF0;
	v12 =	vld [tilespmem:s2+$0xFFFFFFC0];
	v14 =	vsel vm15, v13, v14;
	v13 =	vsel vm15, v16, v15  }
.LBB2_6:
0x7b: {  	p0 =	sne.s32 s26, $0x7FF0;
	v15 =	vor.u32 s28, v1;
	vm0 =	vgt.f32 v10, v14  }
0x7c: {  	v16 =	vld [tilespmem:s2+$0xFFFFFFD0];
	v10 =	vsel vm0, v10, v14;
	v13 =	vsel vm0, v15, v13  }
0x7d: {  	v14 =	vor.u32 s25, v1;
	s25 =	smov.u32 s0;
	s0 =	smov.u32 s26;
	vm0 =	vgt.f32 v11, v10  }
0x7e: {  	s28 =	sadd.s32 $0xFFFFFF90, s25;
	v15 =	vld [tilespmem:s2+$0xFFFFFFE0];
	v10 =	vsel vm0, v11, v10;
	v11 =	vsel vm0, v14, v13  }
0x7f: {  	v13 =	vor.u32 s28, v1;
	vm0 =	vgt.f32 v12, v10  }
0x80: {  	s28 =	sadd.s32 $0xFFFFFFA0, s25;
	v10 =	vsel vm0, v12, v10;
	v11 =	vsel vm0, v13, v11;
	v12 =	vld [tilespmem:s2+$0xFFFFFFF0]  }
0x81: {  	v13 =	vor.u32 s28, v1;
	vm0 =	vgt.f32 v16, v10  }
0x82: {  	s28 =	sadd.s32 $0xFFFFFFB0, s25;
	v10 =	vsel vm0, v16, v10;
	v11 =	vsel vm0, v13, v11;
	v13 =	vld [tilespmem:s2+$0x0]  }
0x83: {  	v14 =	vor.u32 s28, v1;
	vm0 =	vgt.f32 v15, v10  }
0x84: {  	s28 =	sadd.s32 $0xFFFFFFC0, s25;
	v10 =	vsel vm0, v15, v10;
	v11 =	vsel vm0, v14, v11;
	v14 =	vld [tilespmem:s2+$0x10]  }
0x85: {  	v15 =	vor.u32 s28, v1;
	vm0 =	vgt.f32 v12, v10  }
.Ltmp2:
0x86: {  	s28 =	sadd.s32 $0xFFFFFFD0, s25;
	v12 =	vsel vm0, v12, v10;
	v11 =	vsel vm0, v15, v11;
	v10 =	vld [tilespmem:s2+$0x20];
	(pc) =	sbr.rel @p0 .LBB2_6-.Ltmp2, $4  }
0x87: {  	v15 =	vor.u32 s28, v1;
	vm0 =	vgt.f32 v13, v12  }
0x88: {  	s28 =	sadd.s32 $0xFFFFFFE0, s25;
	v13 =	vsel vm0, v13, v12;
	v15 =	vsel vm0, v15, v11;
	v11 =	vld [tilespmem:s2+$0x30]  }
0x89: {  	v16 =	vor.u32 s28, v1;
	s2 =	sadd.s32 $0x80, s2;
	vm0 =	vgt.f32 v14, v13  }
0x8a: {  	s26 =	sadd.s32 $0x80, s26;
	s28 =	sadd.s32 $0xFFFFFFF0, s25;
	v12 =	vld [tilespmem:s2+$0xFFFFFFC0];
	v14 =	vsel vm0, v14, v13;
	v13 =	vsel vm0, v16, v15  }
0x8b: {  	vm0 =	vgt.f32 v10, v14  }
0x8c: {  	v15 =	vld [tilespmem:s2+$0xFFFFFFD0];
	v10 =	vsel vm0, v10, v14  }
0x8d: {  	vm1 =	vgt.f32 v11, v10  }
0x8e: {  	v14 =	vld [tilespmem:s2+$0xFFFFFFE0];
	v10 =	vsel vm1, v11, v10  }
0x8f: {  	vm2 =	vgt.f32 v12, v10  }
0x90: {  	v11 =	vld [tilespmem:s2+$0xFFFFFFF0];
	v10 =	vsel vm2, v12, v10  }
0x91: {  	vm3 =	vgt.f32 v15, v10  }
0x92: {  	v12 =	vld [tilespmem:s2+$0x0];
	v10 =	vsel vm3, v15, v10  }
0x93: {  	vm4 =	vgt.f32 v14, v10  }
0x94: {  	v15 =	vor.u32 s28, v1;
	v10 =	vsel vm4, v14, v10;
	v14 =	vld [tilespmem:s2+$0x10]  }
0x95: {  	s26 =	sadd.s32 $0xFFFFFF90, s0;
	v13 =	vsel vm0, v15, v13;
	v15 =	vor.u32 s25, v1;
	vm8 =	vgt.f32 v11, v10  }
0x96: {  	s29 =	sadd.s32 $0xFFFFFFA0, s0;
	v13 =	vsel vm1, v15, v13;
	v15 =	vor.u32 s26, v1;
	v10 =	vsel vm8, v11, v10;
	v11 =	vld [tilespmem:s2+$0x20]  }
0x97: {  	s26 =	sadd.s32 $0xFFFFFFB0, s0;
	v13 =	vsel vm2, v15, v13;
	v15 =	vor.u32 s29, v1;
	vm9 =	vgt.f32 v12, v10  }
0x98: {  	s29 =	sadd.s32 $0xFFFFFFC0, s0;
	v13 =	vsel vm3, v15, v13;
	v15 =	vor.u32 s26, v1;
	v10 =	vsel vm9, v12, v10;
	v12 =	vld [tilespmem:s2+$0x30]  }
0x99: {  	s25 =	sadd.s32 $0xFFFFFFD0, s0;
	v13 =	vsel vm4, v15, v13;
	v15 =	vor.u32 s29, v1;
	vm10 =	vgt.f32 v14, v10  }
0x9a: {  	s26 =	sadd.s32 $0xFFFFFFE0, s0;
	v13 =	vsel vm8, v15, v13;
	v15 =	vor.u32 s25, v1;
	v10 =	vsel vm10, v14, v10  }
0x9b: {  	s29 =	sadd.s32 $0xFFFFFFF0, s0;
	v13 =	vsel vm9, v15, v13;
	v14 =	vor.u32 s26, v1;
	vm11 =	vgt.f32 v11, v10  }
0x9c: {  	v13 =	vsel vm10, v14, v13;
	v14 =	vor.u32 s29, v1;
	v10 =	vsel vm11, v11, v10  }
0x9d: {  	v11 =	vsel vm11, v14, v13;
	v13 =	vor.u32 s0, v1;
	vm12 =	vgt.f32 v12, v10  }
0x9e: {  	v10 =	vsel vm12, v12, v10;
	v11 =	vsel vm12, v13, v11  }
0x9f: {  	v12 =	vperm.xlane v10, v2;
	v13 =	vperm.xlane v11, v2;
	_ =	sdelay $0x1  }
0xa0: {  	vm13 =	veq.f32 v12, v10;
	vm14 =	vlt.s32 v13, v11  }
0xa1: {  	vm15 =	vgt.f32 v12, v10;
	vm0 =	vmand vm13, vm14  }
0xa2: {  	vm0 =	vmor vm15, vm0  }
0xa3: {  	[tilespmem:s20], [sflag:$0x2] =	stream.strided.gather [hbm4b:s16+s18], $0x8000, s19, s18, $0x38;
	v10 =	vsel vm0, v12, v10;
	v11 =	vsel vm0, v13, v11;
	[tilespmem:$0x18080] =	vst v63  }
0xa4: {  	_ =	swait.ge [sflag:s22], $0x8000;
	v12 =	vperm.xlane v10, v3;
	v13 =	vperm.xlane v11, v3  }
0xa5: {  	[sflag:s22] =	ssyncset.done $0x0  }
0xa6: {  	[sflag:s22] =	ssyncadd.s32 $0xFFFF8000;
	s0 =	simm.s32 $0x40;
	vm4 =	veq.f32 v12, v10;
	vm5 =	vlt.s32 v13, v11  }
0xa7: {  	v14 =	vld [tilespmem:s0+$0xFFFFFFC0];
	vm6 =	vgt.f32 v12, v10;
	vm0 =	vmand vm4, vm5  }
0xa8: {  	vm0 =	vmor vm6, vm0  }
0xa9: {  	v10 =	vsel vm0, v12, v10;
	v12 =	vsel vm0, v13, v11;
	v13 =	vld [tilespmem:s0+$0xFFFFFFD0]  }
0xaa: {  	v11 =	vperm.xlane v10, v4;
	v15 =	vperm.xlane v12, v4  }
0xab: {  	v16 =	vimm.f32 $-Inf  }
0xac: {  	v17 =	vld [tilespmem:s0+$0xFFFFFFE0];
	vm9 =	vgt.f32 v14, v16;
	vm7 =	veq.f32 v11, v10;
	vm8 =	vlt.s32 v15, v12  }
0xad: {  	v14 =	vsel vm9, v14, v16;
	vm10 =	vgt.f32 v11, v10;
	vm0 =	vmand vm7, vm8  }
0xae: {  	v16 =	vld [tilespmem:s0+$0xFFFFFFF0];
	vm0 =	vmor vm10, vm0;
	vm11 =	vgt.f32 v13, v14  }
0xaf: {  	s25 =	simm.s32 $0x0;
	v11 =	vsel vm0, v11, v10;
	v13 =	vsel vm11, v13, v14  }
0xb0: {  	s26 =	simm.s32 $0x10;
	v18 =	vld [tilespmem:s0+$0x0];
	v10 =	vsel vm0, v15, v12;
	v14 =	vimm.s32 $0x0;
	v15 =	vor.u32 s25, v1  }
0xb1: {  	s29 =	simm.s32 $0x20;
	vm12 =	vgt.f32 v17, v13;
	v14 =	vsel vm9, v15, v14;
	v15 =	vor.u32 s26, v1  }
0xb2: {  	s25 =	simm.s32 $0x30;
	v13 =	vsel vm12, v17, v13;
	v17 =	vld [tilespmem:s0+$0x10];
	v14 =	vsel vm11, v15, v14;
	v15 =	vor.u32 s29, v1  }
0xb3: {  	vm13 =	vgt.f32 v16, v13;
	v14 =	vsel vm12, v15, v14;
	v15 =	vor.u32 s25, v1  }
0xb4: {  	s26 =	simm.s32 $0x40;
	v13 =	vsel vm13, v16, v13;
	v15 =	vsel vm13, v15, v14;
	v14 =	vld [tilespmem:s0+$0x20]  }
0xb5: {  	v16 =	vor.u32 s26, v1;
	vm14 =	vgt.f32 v18, v13  }
0xb6: {  	s29 =	simm.s32 $0x50;
	v18 =	vsel vm14, v18, v13;
	v19 =	vsel vm14, v16, v15;
	v15 =	vld [tilespmem:s0+$0x30]  }
0xb7: {  	s28 =	simm.s32 $0x60;
	s2 =	simm.s32 $0xC0;
	v12 =	vperm.xlane v11, v5;
	v20 =	vor.u32 s29, v1;
	vm15 =	vgt.f32 v17, v18  }
0xb8: {  	s25 =	simm.s32 $0x70;
	s26 =	simm.s32 $0x170;
	v13 =	vperm.xlane v10, v5;
	s0 =	simm.s32 $0xF0;
	v16 =	vld [tilespmem:s2+$0xFFFFFFC0];
	v18 =	vsel vm15, v17, v18;
	v17 =	vsel vm15, v20, v19  }
.LBB2_8:
0xb9: {  	p0 =	sne.s32 s26, $0x7FF0;
	v19 =	vor.u32 s28, v1;
	vm0 =	vgt.f32 v14, v18  }
0xba: {  	v20 =	vld [tilespmem:s2+$0xFFFFFFD0];
	v14 =	vsel vm0, v14, v18;
	v17 =	vsel vm0, v19, v17  }
0xbb: {  	v18 =	vor.u32 s25, v1;
	s25 =	smov.u32 s0;
	s0 =	smov.u32 s26;
	vm0 =	vgt.f32 v15, v14  }
0xbc: {  	s28 =	sadd.s32 $0xFFFFFF90, s25;
	v19 =	vld [tilespmem:s2+$0xFFFFFFE0];
	v14 =	vsel vm0, v15, v14;
	v15 =	vsel vm0, v18, v17  }
0xbd: {  	v17 =	vor.u32 s28, v1;
	vm0 =	vgt.f32 v16, v14  }
0xbe: {  	s28 =	sadd.s32 $0xFFFFFFA0, s25;
	v14 =	vsel vm0, v16, v14;
	v15 =	vsel vm0, v17, v15;
	v16 =	vld [tilespmem:s2+$0xFFFFFFF0]  }
0xbf: {  	v17 =	vor.u32 s28, v1;
	vm0 =	vgt.f32 v20, v14  }
0xc0: {  	s28 =	sadd.s32 $0xFFFFFFB0, s25;
	v14 =	vsel vm0, v20, v14;
	v15 =	vsel vm0, v17, v15;
	v17 =	vld [tilespmem:s2+$0x0]  }
0xc1: {  	v18 =	vor.u32 s28, v1;
	vm0 =	vgt.f32 v19, v14  }
0xc2: {  	s28 =	sadd.s32 $0xFFFFFFC0, s25;
	v14 =	vsel vm0, v19, v14;
	v15 =	vsel vm0, v18, v15;
	v18 =	vld [tilespmem:s2+$0x10]  }
0xc3: {  	v19 =	vor.u32 s28, v1;
	vm0 =	vgt.f32 v16, v14  }
.Ltmp3:
0xc4: {  	s28 =	sadd.s32 $0xFFFFFFD0, s25;
	v16 =	vsel vm0, v16, v14;
	v15 =	vsel vm0, v19, v15;
	v14 =	vld [tilespmem:s2+$0x20];
	(pc) =	sbr.rel @p0 .LBB2_8-.Ltmp3, $4  }
0xc5: {  	v19 =	vor.u32 s28, v1;
	vm0 =	vgt.f32 v17, v16  }
0xc6: {  	s28 =	sadd.s32 $0xFFFFFFE0, s25;
	v17 =	vsel vm0, v17, v16;
	v19 =	vsel vm0, v19, v15;
	v15 =	vld [tilespmem:s2+$0x30]  }
0xc7: {  	v20 =	vor.u32 s28, v1;
	s2 =	sadd.s32 $0x80, s2;
	vm0 =	vgt.f32 v18, v17  }
0xc8: {  	s26 =	sadd.s32 $0x80, s26;
	s28 =	sadd.s32 $0xFFFFFFF0, s25;
	v16 =	vld [tilespmem:s2+$0xFFFFFFC0];
	v18 =	vsel vm0, v18, v17;
	v17 =	vsel vm0, v20, v19  }
0xc9: {  	vm0 =	vgt.f32 v14, v18  }
0xca: {  	v19 =	vld [tilespmem:s2+$0xFFFFFFD0];
	v14 =	vsel vm0, v14, v18  }
0xcb: {  	vm1 =	vgt.f32 v15, v14  }
0xcc: {  	v18 =	vld [tilespmem:s2+$0xFFFFFFE0];
	v14 =	vsel vm1, v15, v14  }
0xcd: {  	vm2 =	vgt.f32 v16, v14  }
0xce: {  	v15 =	vld [tilespmem:s2+$0xFFFFFFF0];
	v14 =	vsel vm2, v16, v14  }
0xcf: {  	vm3 =	vgt.f32 v19, v14  }
0xd0: {  	v16 =	vld [tilespmem:s2+$0x0];
	v14 =	vsel vm3, v19, v14  }
0xd1: {  	vm4 =	vgt.f32 v18, v14  }
0xd2: {  	v19 =	vor.u32 s28, v1;
	v14 =	vsel vm4, v18, v14;
	v18 =	vld [tilespmem:s2+$0x10]  }
0xd3: {  	s26 =	sadd.s32 $0xFFFFFF90, s0;
	v17 =	vsel vm0, v19, v17;
	v19 =	vor.u32 s25, v1;
	vm8 =	vgt.f32 v15, v14  }
0xd4: {  	s29 =	sadd.s32 $0xFFFFFFA0, s0;
	v17 =	vsel vm1, v19, v17;
	v19 =	vor.u32 s26, v1;
	v14 =	vsel vm8, v15, v14;
	v15 =	vld [tilespmem:s2+$0x20]  }
0xd5: {  	s26 =	sadd.s32 $0xFFFFFFB0, s0;
	v17 =	vsel vm2, v19, v17;
	v19 =	vor.u32 s29, v1;
	vm9 =	vgt.f32 v16, v14  }
0xd6: {  	s29 =	sadd.s32 $0xFFFFFFC0, s0;
	v17 =	vsel vm3, v19, v17;
	v19 =	vor.u32 s26, v1;
	v14 =	vsel vm9, v16, v14;
	v16 =	vld [tilespmem:s2+$0x30]  }
0xd7: {  	s25 =	sadd.s32 $0xFFFFFFD0, s0;
	v17 =	vsel vm4, v19, v17;
	v19 =	vor.u32 s29, v1;
	vm10 =	vgt.f32 v18, v14  }
0xd8: {  	s26 =	sadd.s32 $0xFFFFFFE0, s0;
	v17 =	vsel vm8, v19, v17;
	v19 =	vor.u32 s25, v1;
	v14 =	vsel vm10, v18, v14  }
0xd9: {  	s29 =	sadd.s32 $0xFFFFFFF0, s0;
	v17 =	vsel vm9, v19, v17;
	v18 =	vor.u32 s26, v1;
	vm11 =	vgt.f32 v15, v14  }
0xda: {  	v17 =	vsel vm10, v18, v17;
	v18 =	vor.u32 s29, v1;
	v14 =	vsel vm11, v15, v14  }
0xdb: {  	v15 =	vsel vm11, v18, v17;
	v17 =	vor.u32 s0, v1;
	vm12 =	vgt.f32 v16, v14  }
0xdc: {  	v14 =	vsel vm12, v16, v14;
	v15 =	vsel vm12, v17, v15  }
0xdd: {  	v16 =	vperm.xlane v14, v2;
	v17 =	vperm.xlane v15, v2;
	_ =	sdelay $0x1  }
0xde: {  	vm13 =	veq.f32 v16, v14;
	vm14 =	vlt.s32 v17, v15  }
0xdf: {  	vm15 =	vgt.f32 v16, v14;
	vm0 =	vmand vm13, vm14  }
0xe0: {  	vm0 =	vmor vm15, vm0  }
0xe1: {  	v14 =	vsel vm0, v16, v14;
	v15 =	vsel vm0, v17, v15  }
0xe2: {  	_ =	swait.ge [sflag:s23], $0x8000;
	v16 =	vperm.xlane v14, v3;
	v17 =	vperm.xlane v15, v3  }
0xe3: {  	[sflag:s23] =	ssyncset.done $0x0  }
0xe4: {  	[sflag:s23] =	ssyncadd.s32 $0xFFFF8000;
	s0 =	simm.s32 $0x8040;
	vm4 =	veq.f32 v16, v14;
	vm5 =	vlt.s32 v17, v15  }
0xe5: {  	v18 =	vld [tilespmem:s0+$0xFFFFFFC0];
	vm6 =	vgt.f32 v16, v14;
	vm0 =	vmand vm4, vm5  }
0xe6: {  	vm0 =	vmor vm6, vm0  }
0xe7: {  	v14 =	vsel vm0, v16, v14;
	v16 =	vsel vm0, v17, v15;
	v17 =	vld [tilespmem:s0+$0xFFFFFFD0]  }
0xe8: {  	v15 =	vperm.xlane v14, v4;
	v19 =	vperm.xlane v16, v4  }
0xe9: {  	v20 =	vimm.f32 $-Inf  }
0xea: {  	v21 =	vld [tilespmem:s0+$0xFFFFFFE0];
	vm9 =	vgt.f32 v18, v20;
	vm7 =	veq.f32 v15, v14;
	vm8 =	vlt.s32 v19, v16  }
0xeb: {  	v18 =	vsel vm9, v18, v20;
	vm10 =	vgt.f32 v15, v14;
	vm0 =	vmand vm7, vm8  }
0xec: {  	v20 =	vld [tilespmem:s0+$0xFFFFFFF0];
	vm0 =	vmor vm10, vm0;
	vm11 =	vgt.f32 v17, v18  }
0xed: {  	s25 =	simm.s32 $0x0;
	v15 =	vsel vm0, v15, v14;
	v17 =	vsel vm11, v17, v18  }
0xee: {  	s26 =	simm.s32 $0x10;
	v22 =	vld [tilespmem:s0+$0x0];
	v14 =	vsel vm0, v19, v16;
	v18 =	vimm.s32 $0x0;
	v19 =	vor.u32 s25, v1  }
0xef: {  	s29 =	simm.s32 $0x20;
	vm12 =	vgt.f32 v21, v17;
	v18 =	vsel vm9, v19, v18;
	v19 =	vor.u32 s26, v1  }
0xf0: {  	s25 =	simm.s32 $0x30;
	v17 =	vsel vm12, v21, v17;
	v21 =	vld [tilespmem:s0+$0x10];
	v18 =	vsel vm11, v19, v18;
	v19 =	vor.u32 s29, v1  }
0xf1: {  	vm13 =	vgt.f32 v20, v17;
	v18 =	vsel vm12, v19, v18;
	v19 =	vor.u32 s25, v1  }
0xf2: {  	s26 =	simm.s32 $0x40;
	v17 =	vsel vm13, v20, v17;
	v19 =	vsel vm13, v19, v18;
	v18 =	vld [tilespmem:s0+$0x20]  }
0xf3: {  	v20 =	vor.u32 s26, v1;
	vm14 =	vgt.f32 v22, v17  }
0xf4: {  	s29 =	simm.s32 $0x50;
	v22 =	vsel vm14, v22, v17;
	v23 =	vsel vm14, v20, v19;
	v19 =	vld [tilespmem:s0+$0x30]  }
0xf5: {  	s28 =	simm.s32 $0x60;
	s2 =	simm.s32 $0x80C0;
	v16 =	vperm.xlane v15, v5;
	v24 =	vor.u32 s29, v1;
	vm15 =	vgt.f32 v21, v22  }
0xf6: {  	s25 =	simm.s32 $0x70;
	s26 =	simm.s32 $0x170;
	v17 =	vperm.xlane v14, v5;
	s0 =	simm.s32 $0xF0;
	v20 =	vld [tilespmem:s2+$0xFFFFFFC0];
	v22 =	vsel vm15, v21, v22;
	v21 =	vsel vm15, v24, v23  }
.LBB2_10:
0xf7: {  	p0 =	sne.s32 s26, $0x7FF0;
	v23 =	vor.u32 s28, v1;
	vm0 =	vgt.f32 v18, v22  }
0xf8: {  	v24 =	vld [tilespmem:s2+$0xFFFFFFD0];
	v18 =	vsel vm0, v18, v22;
	v21 =	vsel vm0, v23, v21  }
0xf9: {  	v22 =	vor.u32 s25, v1;
	s25 =	smov.u32 s0;
	s0 =	smov.u32 s26;
	vm0 =	vgt.f32 v19, v18  }
0xfa: {  	s28 =	sadd.s32 $0xFFFFFF90, s25;
	v23 =	vld [tilespmem:s2+$0xFFFFFFE0];
	v18 =	vsel vm0, v19, v18;
	v19 =	vsel vm0, v22, v21  }
0xfb: {  	v21 =	vor.u32 s28, v1;
	vm0 =	vgt.f32 v20, v18  }
0xfc: {  	s28 =	sadd.s32 $0xFFFFFFA0, s25;
	v18 =	vsel vm0, v20, v18;
	v19 =	vsel vm0, v21, v19;
	v20 =	vld [tilespmem:s2+$0xFFFFFFF0]  }
0xfd: {  	v21 =	vor.u32 s28, v1;
	vm0 =	vgt.f32 v24, v18  }
0xfe: {  	s28 =	sadd.s32 $0xFFFFFFB0, s25;
	v18 =	vsel vm0, v24, v18;
	v19 =	vsel vm0, v21, v19;
	v21 =	vld [tilespmem:s2+$0x0]  }
0xff: {  	v22 =	vor.u32 s28, v1;
	vm0 =	vgt.f32 v23, v18  }
0x100: {  	s28 =	sadd.s32 $0xFFFFFFC0, s25;
	v18 =	vsel vm0, v23, v18;
	v19 =	vsel vm0, v22, v19;
	v22 =	vld [tilespmem:s2+$0x10]  }
0x101: {  	v23 =	vor.u32 s28, v1;
	vm0 =	vgt.f32 v20, v18  }
.Ltmp4:
0x102: {  	s28 =	sadd.s32 $0xFFFFFFD0, s25;
	v20 =	vsel vm0, v20, v18;
	v19 =	vsel vm0, v23, v19;
	v18 =	vld [tilespmem:s2+$0x20];
	(pc) =	sbr.rel @p0 .LBB2_10-.Ltmp4, $4  }
0x103: {  	v23 =	vor.u32 s28, v1;
	vm0 =	vgt.f32 v21, v20  }
0x104: {  	s28 =	sadd.s32 $0xFFFFFFE0, s25;
	v21 =	vsel vm0, v21, v20;
	v23 =	vsel vm0, v23, v19;
	v19 =	vld [tilespmem:s2+$0x30]  }
0x105: {  	v24 =	vor.u32 s28, v1;
	s2 =	sadd.s32 $0x80, s2;
	vm0 =	vgt.f32 v22, v21  }
0x106: {  	s26 =	sadd.s32 $0x80, s26;
	s28 =	sadd.s32 $0xFFFFFFF0, s25;
	v20 =	vld [tilespmem:s2+$0xFFFFFFC0];
	v22 =	vsel vm0, v22, v21;
	v21 =	vsel vm0, v24, v23  }
0x107: {  	vm0 =	vgt.f32 v18, v22  }
0x108: {  	v23 =	vld [tilespmem:s2+$0xFFFFFFD0];
	v18 =	vsel vm0, v18, v22  }
0x109: {  	vm1 =	vgt.f32 v19, v18  }
0x10a: {  	v43 =	vld [tilespmem:s2+$0xFFFFFFE0];
	v18 =	vsel vm1, v19, v18  }
0x10b: {  	vm2 =	vgt.f32 v20, v18  }
0x10c: {  	v44 =	vld [tilespmem:s2+$0xFFFFFFF0];
	v18 =	vsel vm2, v20, v18  }
0x10d: {  	vm3 =	vgt.f32 v23, v18  }
0x10e: {  	v45 =	vld [tilespmem:s2+$0x0];
	v18 =	vsel vm3, v23, v18  }
0x10f: {  	vm4 =	vgt.f32 v43, v18  }
0x110: {  	v46 =	vor.u32 s28, v1;
	v47 =	vld [tilespmem:s2+$0x10];
	v18 =	vsel vm4, v43, v18  }
0x111: {  	v48 =	vor.u32 s25, v1;
	s29 =	sadd.s32 $0xFFFFFF90, s0;
	v21 =	vsel vm0, v46, v21;
	vm15 =	vgt.f32 v44, v18  }
0x112: {  	s26 =	sadd.s32 $0xFFFFFFA0, s0;
	v50 =	vld [tilespmem:s2+$0x20];
	v49 =	vor.u32 s29, v1;
	v21 =	vsel vm1, v48, v21;
	v18 =	vsel vm15, v44, v18  }
0x113: {  	s28 =	sadd.s32 $0xFFFFFFB0, s0;
	v51 =	vor.u32 s26, v1;
	v21 =	vsel vm2, v49, v21;
	vm5 =	vgt.f32 v45, v18  }
0x114: {  	v53 =	vld [tilespmem:s2+$0x30];
	v52 =	vor.u32 s28, v1;
	s29 =	sadd.s32 $0xFFFFFFC0, s0;
	v21 =	vsel vm3, v51, v21;
	v18 =	vsel vm5, v45, v18  }
0x115: {  	s25 =	sadd.s32 $0xFFFFFFD0, s0;
	v54 =	vor.u32 s29, v1;
	v21 =	vsel vm4, v52, v21;
	vm6 =	vgt.f32 v47, v18  }
0x116: {  	v55 =	vor.u32 s25, v1;
	s26 =	sadd.s32 $0xFFFFFFE0, s0;
	v21 =	vsel vm15, v54, v21;
	v18 =	vsel vm6, v47, v18  }
0x117: {  	s28 =	sadd.s32 $0xFFFFFFF0, s0;
	v56 =	vor.u32 s26, v1;
	v21 =	vsel vm5, v55, v21;
	vm7 =	vgt.f32 v50, v18  }
0x118: {  	v57 =	vor.u32 s28, v1;
	v21 =	vsel vm6, v56, v21;
	v18 =	vsel vm7, v50, v18  }
0x119: {  	v59 =	vor.u32 s0, v1;
	v58 =	vsel vm7, v57, v21;
	vm8 =	vgt.f32 v53, v18  }
0x11a: {  	v18 =	vsel vm8, v53, v18;
	v19 =	vsel vm8, v59, v58  }
0x11b: {  	v20 =	vperm.xlane v18, v2;
	v21 =	vperm.xlane v19, v2;
	_ =	sdelay $0x1  }
0x11c: {  	vm9 =	veq.f32 v20, v18;
	vm10 =	vlt.s32 v21, v19  }
0x11d: {  	vm11 =	vgt.f32 v20, v18;
	vm0 =	vmand vm9, vm10  }
0x11e: {  	vm0 =	vmor vm11, vm0  }
0x11f: {  	v18 =	vsel vm0, v20, v18;
	v19 =	vsel vm0, v21, v19  }
0x120: {  	v20 =	vperm.xlane v18, v3;
	v21 =	vperm.xlane v19, v3;
	_ =	sdelay $0x1  }
0x121: {  	vm12 =	veq.f32 v20, v18;
	vm13 =	vlt.s32 v21, v19  }
0x122: {  	vm14 =	vgt.f32 v20, v18;
	vm0 =	vmand vm12, vm13  }
0x123: {  	vm15 =	vgt.f32 v8, v7;
	vm5 =	veq.f32 v16, v15;
	vm0 =	vmor vm14, vm0  }
0x124: {  	vm6 =	veq.f32 v8, v7;
	v7 =	vsel vm0, v20, v18;
	v60 =	vsel vm0, v21, v19  }
0x125: {  	vm7 =	vlt.s32 v9, v6;
	v18 =	vperm.xlane v7, v4;
	v19 =	vperm.xlane v60, v4  }
0x126: {  	vm8 =	vmand vm6, vm7;
	vm6 =	vlt.s32 v17, v14;
	vm7 =	vgt.f32 v16, v15  }
0x127: {  	vm9 =	veq.f32 v12, v11;
	vm11 =	veq.f32 v18, v7;
	vm12 =	vlt.s32 v19, v60  }
0x128: {  	vm10 =	vlt.s32 v13, v10;
	vm14 =	vgt.f32 v18, v7;
	vm2 =	vmand vm11, vm12  }
0x129: {  	vm1 =	vmand vm9, vm10;
	vm13 =	vgt.f32 v12, v11;
	vm4 =	vmor vm14, vm2  }
0x12a: {  	vm0 =	vmor vm15, vm8;
	v7 =	vsel vm4, v18, v7;
	v8 =	vsel vm4, v19, v60  }
0x12b: {  	vm15 =	vmor vm13, vm1;
	v61 =	vperm.xlane v7, v5;
	v62 =	vperm.xlane v8, v5  }
0x12c: {  	vm1 =	vmand vm5, vm6;
	v6 =	vsel vm0, v9, v6;
	v63 =	vsel vm15, v13, v10  }
0x12d: {  	vm0 =	vmor vm7, vm1;
	vm8 =	veq.f32 v61, v7;
	vm9 =	vlt.s32 v62, v8  }
0x12e: {  	(v2sf) =	vpush v6, $0x0;
	vm10 =	vgt.f32 v61, v7;
	vm1 =	vmand vm8, vm9  }
0x12f: {  	v6 =	vsel vm0, v17, v14;
	(v2sf) =	vpush v63, $0x0;
	vm11 =	vmor vm10, vm1  }
0x130: {  	(v2sf) =	vpush v6, $0x0;
	v6 =	vsel vm11, v62, v8  }
0x131: {  	(v2sf) =	vpush v6, $0x0;
	_ =	sdelay $0xb  }
0x132: {  	s25 =	spop (v2sf)  }
0x133: {  	s26 =	spop (v2sf);
	s29 =	sshra.s32 s25, $0x1F  }
0x134: {  	s2 =	spop (v2sf);
	s28 =	sshrl.u32 s29, $0x1C  }
0x135: {  	s28 =	sadd.s32 s28, s25;
	s0 =	spop (v2sf)  }
0x136: {  	s29 =	sand.u32 $0xFFFFFFF0, s28;
	_ =	swait.ge [sflag:s24], $0x8000  }
0x137: {  	p0 =	slt.s32 s25, $0x1;
	p1 =	sne.s32 s25, s29;
	[sflag:s24] =	ssyncset.done $0x0  }
0x138: {  	p0 =	por !p0, !p1;
	[sflag:s24] =	ssyncadd.s32 $0xFFFF8000  }
0x139: {  	s29 =	simm.s32 $0x1;
	p0 =	por !p0, !p0;
	_ =	swait.ge [sflag:s24], $0x8000  }
0x13a: {  	s28 =	sshra.s32 s28, $0x4;
	s29 =	simm.s32 @!p0 $0x0;
	[sflag:s24] =	ssyncset.done $0x0  }
0x13b: {  	s28 =	ssub.s32 s28, s29;
	[sflag:s24] =	ssyncadd.s32 $0xFFFF8000  }
0x13c: {  	s25 =	sand.u32 $0xF, s25;
	s29 =	sshll.u32 s28, $0x7;
	_ =	swait.ge [sflag:s24], $0x8000  }
0x13d: {  	s28 =	sshll.u32 s28, $0x4;
	s29 =	sand.u32 $0xFFFFFC00, s29;
	[sflag:s24] =	ssyncset.done $0x0  }
0x13e: {  	s28 =	sand.u32 $0x70, s28;
	s29 =	sadd.s32 s4, s29;
	[sflag:s24] =	ssyncadd.s32 $0xFFFF8000  }
0x13f: {  	v6 =	vmov s25;
	s28 =	sor.u32 s28, s29;
	_ =	swait.ge [sflag:s24], $0x8000  }
0x140: {  	vm12 =	veq.s32 v6, v1;
	s25 =	sor.u32 s5, s28;
	[sflag:s24] =	ssyncset.done $0x0  }
0x141: {  	v6 =	vsel vm12, $0x3F800000, v0;
	s25 =	sshrl.u32 s25, $0x3;
	[sflag:s24] =	ssyncadd.s32 $0xFFFF8000  }
0x142: {  	s29 =	simm.s32 $0x18000;
	s28 =	sshra.s32 s26, $0x1F;
	s25 =	sadd.s32 s1, s25;
	[tilespmem:$0x18000] =	vst v6  }
0x143: {  	[hbm4b:s25+s3] =	stream.linear.scatter [tilespmem:s29], [sflag:$0x4], $0x10, $0x38;
	[tilespmem:$0x18080] =	vst v63  }
0x144: {  	s25 =	sshrl.u32 s28, $0x1C  }
0x145: {  	s25 =	sadd.s32 s25, s26  }
0x146: {  	s29 =	sand.u32 $0xFFFFFFF0, s25  }
0x147: {  	p1 =	slt.s32 s26, $0x1;
	p2 =	sne.s32 s26, s29  }
0x148: {  	p0 =	por !p1, !p2  }
0x149: {  	s28 =	simm.s32 $0x1;
	p0 =	por !p0, !p0  }
0x14a: {  	s25 =	sshra.s32 s25, $0x4;
	s28 =	simm.s32 @!p0 $0x0  }
0x14b: {  	s25 =	ssub.s32 s25, s28  }
0x14c: {  	s28 =	sshll.u32 s25, $0x7  }
0x14d: {  	s25 =	sshll.u32 s25, $0x4;
	s28 =	sand.u32 $0xFFFFFC00, s28  }
0x14e: {  	s26 =	sand.u32 $0xF, s26;
	s25 =	sand.u32 $0x70, s25;
	s28 =	sadd.s32 s4, s28  }
0x14f: {  	v6 =	vmov s26;
	s25 =	sor.u32 s25, s28  }
0x150: {  	vm13 =	veq.s32 v6, v1;
	s25 =	sor.u32 s6, s25  }
0x151: {  	v6 =	vsel vm13, $0x3F800000, v0;
	s25 =	sshrl.u32 s25, $0x3  }
0x152: {  	s29 =	simm.s32 $0x18010;
	[tilespmem:$0x18010] =	vst v6;
	s28 =	sshra.s32 s2, $0x1F;
	s25 =	sadd.s32 s1, s25  }
0x153: {  	[hbm4b:s25+s3] =	stream.linear.scatter [tilespmem:s29], [sflag:$0x4], $0x10, $0x38;
	[tilespmem:$0x18080] =	vst v63  }
0x154: {  	s25 =	sshrl.u32 s28, $0x1C  }
0x155: {  	s25 =	sadd.s32 s25, s2  }
0x156: {  	s29 =	sand.u32 $0xFFFFFFF0, s25  }
0x157: {  	p3 =	slt.s32 s2, $0x1;
	p4 =	sne.s32 s2, s29  }
0x158: {  	p0 =	por !p3, !p4  }
0x159: {  	s26 =	simm.s32 $0x1;
	p0 =	por !p0, !p0  }
0x15a: {  	s25 =	sshra.s32 s25, $0x4;
	s26 =	simm.s32 @!p0 $0x0  }
0x15b: {  	s25 =	ssub.s32 s25, s26  }
0x15c: {  	s26 =	sshll.u32 s25, $0x7  }
0x15d: {  	s25 =	sshll.u32 s25, $0x4;
	s26 =	sand.u32 $0xFFFFFC00, s26  }
0x15e: {  	s2 =	sand.u32 $0xF, s2;
	s25 =	sand.u32 $0x70, s25;
	s26 =	sadd.s32 s4, s26  }
0x15f: {  	v6 =	vmov s2;
	s28 =	sor.u32 s25, s26  }
0x160: {  	vm14 =	veq.s32 v6, v1;
	s2 =	sor.u32 s9, s28  }
0x161: {  	v6 =	vsel vm14, $0x3F800000, v0;
	s2 =	sshrl.u32 s2, $0x3  }
0x162: {  	s29 =	simm.s32 $0x18020;
	[tilespmem:$0x18020] =	vst v6;
	s25 =	sshra.s32 s0, $0x1F;
	s2 =	sadd.s32 s1, s2  }
0x163: {  	[hbm4b:s2+s3] =	stream.linear.scatter [tilespmem:s29], [sflag:$0x4], $0x10, $0x38;
	[tilespmem:$0x18080] =	vst v63  }
0x164: {  	s2 =	sshrl.u32 s25, $0x1C  }
0x165: {  	s2 =	sadd.s32 s2, s0  }
0x166: {  	s26 =	sand.u32 $0xFFFFFFF0, s2  }
0x167: {  	p5 =	slt.s32 s0, $0x1;
	p6 =	sne.s32 s0, s26  }
0x168: {  	p0 =	por !p5, !p6  }
0x169: {  	s25 =	simm.s32 $0x1;
	p0 =	por !p0, !p0  }
0x16a: {  	s2 =	sshra.s32 s2, $0x4;
	s25 =	simm.s32 @!p0 $0x0  }
0x16b: {  	s2 =	ssub.s32 s2, s25  }
0x16c: {  	s25 =	sshll.u32 s2, $0x7  }
0x16d: {  	s2 =	sshll.u32 s2, $0x4;
	s25 =	sand.u32 $0xFFFFFC00, s25  }
0x16e: {  	s0 =	sand.u32 $0xF, s0;
	s2 =	sand.u32 $0x70, s2;
	s25 =	sadd.s32 s4, s25  }
0x16f: {  	v6 =	vmov s0;
	s28 =	sor.u32 s2, s25  }
0x170: {  	vm15 =	veq.s32 v6, v1;
	s0 =	sor.u32 s10, s28  }
0x171: {  	v6 =	vsel vm15, $0x3F800000, v0;
	s0 =	sshrl.u32 s0, $0x3  }
0x172: {  	s29 =	simm.s32 $0x18030;
	[tilespmem:$0x18030] =	vst v6;
	s0 =	sadd.s32 s1, s0  }
0x173: {  	[hbm4b:s0+s3] =	stream.linear.scatter [tilespmem:s29], [sflag:$0x4], $0x10, $0x38;
	[tilespmem:$0x18080] =	vst v63  }
0x174: {  	_ =	swait.ge [sflag:s30], $0x10  }
0x175: {  	[sflag:s30] =	ssyncset.done $0x0  }
0x176: {  	[sflag:s30] =	ssyncadd.s32 $0xFFFFFFF0  }
0x177: {  	_ =	swait.ge [sflag:s30], $0x10  }
0x178: {  	[sflag:s30] =	ssyncset.done $0x0  }
0x179: {  	s31 =	sadd.s32 $0x1, s31;
	[sflag:s30] =	ssyncadd.s32 $0xFFFFFFF0  }
0x17a: {  	p0 =	sne.s32 s31, s17;
	_ =	swait.ge [sflag:s30], $0x10  }
.Ltmp5:
0x17b: {  	[sflag:s30] =	ssyncset.done $0x0;
	(pc) =	sbr.rel @p0 .LBB2_1-.Ltmp5, $4  }
0x17c: {  	[sflag:s30] =	ssyncadd.s32 $0xFFFFFFF0  }
0x17d: {  	_ =	swait.ge [sflag:s30], $0x10  }
0x17e: {  	[sflag:s30] =	ssyncset.done $0x0  }
0x17f: {  	[sflag:s30] =	ssyncadd.s32 $0xFFFFFFF0  }
0x180: {  	_ =	sfence.sel $0x180000  }
0x181: {  	[bflag:$0x0] =	sbarrier.arrive $0xFFFF  }
0x182: {  	_ =	strace $0x90000047  }
0x183: {  	s0 =	stileid.u32;
	[bflag:$0x2] =	sbarrier.arrive $0xFFFF  }
0x184: {  	p0 =	sne.s32 s0, $0x0;
	s0 =	rddreg [dreg:$0x2]  }
0x185: {  	s0 =	sadd.s32 @!p0 $0x100000, s0  }
0x186: {  	[sflag:s0] =	ssyncadd.tile.s32 @!p0 $0x1;
	_ =	shalt  }
.Lfunc_end2:
_tile_overlayer_lowered:
.L_overlay_start_2:
0x187: {  	(tag) =	ssettag $0x2  }
0x188: {  	s0 =	rddreg [dreg:$0x0];
	s2 =	stileid.u32  }
0x189: {  	s1 =	rddreg [dreg:$0x1];
	p0 =	sne.s32 s2, $0x0  }
0x18a: {  	s3 =	rddreg [dreg:$0x2];
	[bflag:$0x3] =	sbarrier.arrive $0xFFFF;
	s2 =	simm.s32 @!p0 $0x1C05  }
0x18b: {  	[timem:s3], [sflag:s2] =	dma.local @!p0 [hbm:s0], s1  }
0x18c: {  	s0 =	simm.s32 @!p0 $0x5  }
0x18d: {  	_ =	swait.ge @!p0 [sflag:s0], s1  }
0x18e: {  	s1 =	ssub.s32 @!p0 $0x0, s1;
	[sflag:s0] =	ssyncset.done @!p0 $0x0  }
0x18f: {  	[sflag:s0] =	ssyncadd.s32 @!p0 s1  }
0x190: {  	[bflag:$0x3] =	sbarrier.arrive $0xFFFF  }
0x191: {  	_ =	shalt  }

</sc_bundles>
